<compile_context>
chip_gen: v7x
topology: tpu7x:2x2x1
jax: 0.10.2.dev20260603
libtpu: 0.0.44.dev20260713+nightly
codegen_flags: <defaults>
</compile_context>

<pallas_src>
import functools

import jax
import jax.numpy as jnp
from jax import lax
from jax.experimental import pallas as pl
from jax.experimental.pallas import tpu as pltpu
from jax.experimental.pallas import tpu_sc as plsc

X_MIN = 37.6 - 0.25
Y_MIN = 55.75 - 0.17
INV_H = 200.0
X_NUM = 101
Y_NUM = 69

L = 16
NC = 2
NS = 16
NW = NC * NS

N_PTS = 8192
EMB = 256
BPW = N_PTS // NW
GCH = 64
NCH = BPW // GCH


def _body(points_hbm, spx_hbm, spy_hbm, table_hbm, out_hbm,
          pts_v, spx_v, spy_v, idx_v, rows_v, gsem, wsem, isem):
    wid = lax.axis_index("s") * NC + lax.axis_index("c")
    base = wid * BPW

    cp_p = pltpu.make_async_copy(points_hbm.at[pl.ds(base * 2, BPW * 2)],
                                 pts_v, isem)
    cp_x = pltpu.make_async_copy(spx_hbm, spx_v, isem)
    cp_y = pltpu.make_async_copy(spy_hbm, spy_v, isem)
    cp_p.start()
    cp_x.start()
    cp_y.start()
    cp_p.wait()
    cp_x.wait()
    cp_y.wait()

    lanes = lax.iota(jnp.int32, L)
    ones = jnp.ones((L,), jnp.int32)

    def step(it, carry):
        row2 = (lanes + it * L) * 2
        x = plsc.load_gather(pts_v, [row2])
        y = plsc.load_gather(pts_v, [row2 + ones])

        i0 = jnp.clip(((x - X_MIN) * INV_H).astype(jnp.int32), 0, X_NUM - 2)
        j0 = jnp.clip(((y - Y_MIN) * INV_H).astype(jnp.int32), 0, Y_NUM - 2)

        spx0 = plsc.load_gather(spx_v, [i0])
        spx1 = plsc.load_gather(spx_v, [i0 + 1])
        spy0 = plsc.load_gather(spy_v, [j0])
        spy1 = plsc.load_gather(spy_v, [j0 + 1])

        dx0 = x - spx0
        dx1 = x - spx1
        dy0 = y - spy0
        dy1 = y - spy1
        dx0 = dx0 * dx0
        dx1 = dx1 * dx1
        dy0 = dy0 * dy0
        dy1 = dy1 * dy1

        c00 = i0 * Y_NUM + j0
        best_d = dx0 + dy0
        best_c = c00
        for d, c in ((dx0 + dy1, c00 + 1),
                     (dx1 + dy0, c00 + Y_NUM),
                     (dx1 + dy1, c00 + Y_NUM + 1)):
            m = d < best_d
            best_d = jnp.where(m, d, best_d)
            best_c = jnp.where(m, c, best_c)

        idx_v[pl.ds(it * L, L)] = best_c
        return carry

    gathers = []
    for ch in range(NCH):
        lax.fori_loop(ch * (GCH // L), (ch + 1) * (GCH // L), step, 0)
        gathers.append(pltpu.make_async_copy(
            table_hbm.at[idx_v.at[pl.ds(ch * GCH, GCH)]],
            rows_v.at[pl.ds(ch * GCH, GCH)],
            gsem))
        gathers[-1].start()

    writes = []
    for ch in range(NCH):
        gathers[ch].wait()
        writes.append(pltpu.make_async_copy(
            rows_v.at[pl.ds(ch * GCH, GCH)],
            out_hbm.at[pl.ds(base + ch * GCH, GCH)],
            wsem))
        writes[-1].start()
    for w in writes:
        w.wait()


@jax.jit
def _encode(points, support_points, table):
    sp_grid = support_points.reshape(X_NUM, Y_NUM, 2)
    spx = sp_grid[:, 0, 0]
    spy = sp_grid[0, :, 1]
    mesh = plsc.VectorSubcoreMesh(core_axis_name="c", subcore_axis_name="s",
                                  num_cores=NC)
    f = functools.partial(
        pl.kernel,
        out_type=jax.ShapeDtypeStruct((N_PTS, EMB), jnp.float32),
        mesh=mesh,
        compiler_params=pltpu.CompilerParams(needs_layout_passes=False),
        scratch_types=[
            pltpu.VMEM((BPW * 2,), jnp.float32),
            pltpu.VMEM((X_NUM,), jnp.float32),
            pltpu.VMEM((Y_NUM,), jnp.float32),
            pltpu.VMEM((BPW,), jnp.int32),
            pltpu.VMEM((BPW, EMB), jnp.float32),
            pltpu.SemaphoreType.DMA,
            pltpu.SemaphoreType.DMA,
            pltpu.SemaphoreType.DMA,
        ],
    )(_body)
    return f(points.reshape(-1), spx, spy, table)


def kernel(points, support_points, table):
    return _encode(points, support_points, table)

# --- scband reference (transcript-rebuilt; emitter-appended) ---
"""Pipeline reference for scband-support-point-encoder-20143396618619 (READ-ONLY COPY).

The authoritative reference and input builder live on the scoring server;
editing this copy changes nothing except your own understanding.
"""

import jax, jax.numpy as jnp
import numpy as np

X_COORD_MEAN = 37.6
X_COORD_STD = 0.25
Y_COORD_MEAN = 55.75
Y_COORD_STD = 0.17
INTERVAL = 0.005
POINT_EMB_DIM = 256
N_POINTS = 8192


def _build_support_points():
    x_num = int(2 * X_COORD_STD / INTERVAL) + 1
    y_num = int(2 * Y_COORD_STD / INTERVAL) + 1
    sp = np.zeros((x_num * y_num, 2), dtype=np.float32)
    for i in range(x_num):
        for j in range(y_num):
            x = X_COORD_MEAN - X_COORD_STD + i * INTERVAL
            y = Y_COORD_MEAN - Y_COORD_STD + j * INTERVAL
            idx = i * y_num + j
            sp[idx, 0] = x
            sp[idx, 1] = y
    return jnp.asarray(sp)


def setup_inputs(seed: int = 0) -> dict:
    key = jax.random.key(seed)
    k1, k2 = jax.random.split(key)
    raw = jax.random.normal(k1, (N_POINTS, 2), dtype=jnp.float32)
    mean = jnp.array([X_COORD_MEAN, Y_COORD_MEAN], dtype=jnp.float32)
    std = jnp.array([X_COORD_STD, Y_COORD_STD], dtype=jnp.float32)
    points = mean[None, :] + raw * std[None, :]
    support_points = _build_support_points()
    n_codes = support_points.shape[0]
    table = jax.random.normal(k2, (n_codes, POINT_EMB_DIM), dtype=jnp.float32)
    return {"points": points, "support_points": support_points, "table": table}


def reference(points, support_points, table):
    dists = jnp.square(points[:, None, :] - support_points[None, :, :]).sum(axis=-1)
    support_point_idxes = jnp.argmin(dists, axis=-1)
    x = jnp.take(table, support_point_idxes, axis=0)
    return x

if __name__ == "__main__":
    import jax
    _d = setup_inputs()
    print(jax.jit(kernel)(*tuple(_d.values())))

</pallas_src>

<mosaic_0001>
#map = affine_map<(d0, d1) -> (0)>
#map1 = affine_map<(d0, d1) -> (0, 0)>
module attributes {stable_mosaic.version = 14 : i64} {
  func.func @_body(%arg0: i32, %arg1: i32, %arg2: memref<16384xf32, #tpu.memory_space<hbm>>, %arg3: memref<101xf32, #tpu.memory_space<hbm>>, %arg4: memref<69xf32, #tpu.memory_space<hbm>>, %arg5: memref<6969x256xf32, #tpu.memory_space<hbm>>, %arg6: memref<8192x256xf32, #tpu.memory_space<hbm>>, %arg7: memref<512xf32, #tpu.memory_space<vmem>>, %arg8: memref<101xf32, #tpu.memory_space<vmem>>, %arg9: memref<69xf32, #tpu.memory_space<vmem>>, %arg10: memref<256xi32, #tpu.memory_space<vmem>>, %arg11: memref<256x256xf32, #tpu.memory_space<vmem>>, %arg12: memref<!tpu.dma_semaphore, #tpu.memory_space<semaphore_mem>>, %arg13: memref<!tpu.dma_semaphore, #tpu.memory_space<semaphore_mem>>, %arg14: memref<!tpu.dma_semaphore, #tpu.memory_space<semaphore_mem>>) attributes {dimension_semantics = [#tpu.dimension_semantics<core_parallel>, #tpu.dimension_semantics<subcore_parallel>], iteration_bounds = array<i64: 2, 16>, scalar_prefetch = 0 : i64, scratch_operands = 8 : i64, tpu.core_type = #tpu.core_type<sc_vector_subcore>, window_params = [{transform_indices = #map}, {transform_indices = #map}, {transform_indices = #map}, {transform_indices = #map1}, {transform_indices = #map1}]} {
    %mul3A = arith.constant 2 : i32
    %mul3A_0 = arith.muli %arg1, %mul3A : i32
    %add3A = arith.addi %mul3A_0, %arg0 : i32
    %mul3A_1 = arith.constant 256 : i32
    %mul3A_2 = arith.muli %add3A, %mul3A_1 : i32
    %mul3A_3 = arith.constant 2 : i32
    %mul3A_4 = arith.muli %mul3A_2, %mul3A_3 : i32
    %dma_start3A = tpu.memref_slice %arg2[%mul3A_4] : memref<16384xf32, #tpu.memory_space<hbm>> -> memref<512xf32, #tpu.memory_space<hbm>>
    %dma_start3A_5 = tpu.memref_slice %arg2[%mul3A_4] : memref<16384xf32, #tpu.memory_space<hbm>> -> memref<512xf32, #tpu.memory_space<hbm>>
    tpu.enqueue_dma source(%dma_start3A_5 : memref<512xf32, #tpu.memory_space<hbm>>) target(%arg7 : memref<512xf32, #tpu.memory_space<vmem>>) target_semaphore(%arg14 : memref<!tpu.dma_semaphore, #tpu.memory_space<semaphore_mem>>)
    tpu.enqueue_dma source(%arg3 : memref<101xf32, #tpu.memory_space<hbm>>) target(%arg8 : memref<101xf32, #tpu.memory_space<vmem>>) target_semaphore(%arg14 : memref<!tpu.dma_semaphore, #tpu.memory_space<semaphore_mem>>)
    tpu.enqueue_dma source(%arg4 : memref<69xf32, #tpu.memory_space<hbm>>) target(%arg9 : memref<69xf32, #tpu.memory_space<vmem>>) target_semaphore(%arg14 : memref<!tpu.dma_semaphore, #tpu.memory_space<semaphore_mem>>)
    %dma_wait3A = tpu.memref_slice %arg2[%mul3A_4] : memref<16384xf32, #tpu.memory_space<hbm>> -> memref<512xf32, #tpu.memory_space<hbm>>
    %dma_wait3A_6 = tpu.memref_slice %arg2[%mul3A_4] : memref<16384xf32, #tpu.memory_space<hbm>> -> memref<512xf32, #tpu.memory_space<hbm>>
    tpu.wait_dma2 semaphore(%arg14 : memref<!tpu.dma_semaphore, #tpu.memory_space<semaphore_mem>>) src(%dma_wait3A_6 : memref<512xf32, #tpu.memory_space<hbm>>) dst(%arg7 : memref<512xf32, #tpu.memory_space<vmem>>)
    tpu.wait_dma2 semaphore(%arg14 : memref<!tpu.dma_semaphore, #tpu.memory_space<semaphore_mem>>) src(%arg3 : memref<101xf32, #tpu.memory_space<hbm>>) dst(%arg8 : memref<101xf32, #tpu.memory_space<vmem>>)
    tpu.wait_dma2 semaphore(%arg14 : memref<!tpu.dma_semaphore, #tpu.memory_space<semaphore_mem>>) src(%arg4 : memref<69xf32, #tpu.memory_space<hbm>>) dst(%arg9 : memref<69xf32, #tpu.memory_space<vmem>>)
    %iota3A = tpu.iota {dimensions = array<i32: 0>} : vector<16xi32>
    %broadcast_in_dim3A = arith.constant 1 : i32
    %broadcast_in_dim3A_7 = vector.broadcast %broadcast_in_dim3A : i32 to vector<16xi32>
    %scan3A = arith.constant 0 : i32
    %scan3A_8 = arith.constant 0 : i32
    %scan3A_9 = arith.constant 4 : i32
    %scan3A_10 = arith.addi %scan3A_8, %scan3A_9 : i32
    %scan3A_11 = arith.constant 1 : i32
    scf.for %scan3A_183 = %scan3A_8 to %scan3A_10 step %scan3A_11  : i32 {
      %mul3A_184 = arith.constant 16 : i32
      %mul3A_185 = arith.muli %scan3A_183, %mul3A_184 : i32
      %add3A_186 = vector.broadcast %mul3A_185 : i32 to vector<16xi32>
      %add3A_187 = arith.addi %iota3A, %add3A_186 : vector<16xi32>
      %mul3A_188 = arith.constant 2 : i32
      %mul3A_189 = vector.broadcast %mul3A_188 : i32 to vector<16xi32>
      %mul3A_190 = arith.muli %add3A_187, %mul3A_189 : vector<16xi32>
      %gather3A = tpu.vector_load_idx %arg7[%mul3A_190] : memref<512xf32, #tpu.memory_space<vmem>>[vector<16xi32>], vector<16xf32>,
      %add3A_191 = arith.addi %mul3A_190, %broadcast_in_dim3A_7 : vector<16xi32>
      %gather3A_192 = tpu.vector_load_idx %arg7[%add3A_191] : memref<512xf32, #tpu.memory_space<vmem>>[vector<16xi32>], vector<16xf32>,
      %sub3A = arith.constant 3.735000e+01 : f32
      %sub3A_193 = vector.broadcast %sub3A : f32 to vector<16xf32>
      %sub3A_194 = arith.subf %gather3A, %sub3A_193 : vector<16xf32>
      %mul3A_195 = arith.constant 2.000000e+02 : f32
      %mul3A_196 = vector.broadcast %mul3A_195 : f32 to vector<16xf32>
      %mul3A_197 = arith.mulf %sub3A_194, %mul3A_196 : vector<16xf32>
      %convert_element_type3A = arith.fptosi %mul3A_197 : vector<16xf32> to vector<16xi32>
      %jit3A = arith.constant 0 : i32
      %jit3A_198 = arith.constant 99 : i32
      %max3A = vector.broadcast %jit3A : i32 to vector<16xi32>
      %max3A_199 = arith.maxsi %max3A, %convert_element_type3A : vector<16xi32>
      %min3A = vector.broadcast %jit3A_198 : i32 to vector<16xi32>
      %min3A_200 = arith.minsi %min3A, %max3A_199 : vector<16xi32>
      %sub3A_201 = arith.constant 5.558000e+01 : f32
      %sub3A_202 = vector.broadcast %sub3A_201 : f32 to vector<16xf32>
      %sub3A_203 = arith.subf %gather3A_192, %sub3A_202 : vector<16xf32>
      %mul3A_204 = arith.constant 2.000000e+02 : f32
      %mul3A_205 = vector.broadcast %mul3A_204 : f32 to vector<16xf32>
      %mul3A_206 = arith.mulf %sub3A_203, %mul3A_205 : vector<16xf32>
      %convert_element_type3A_207 = arith.fptosi %mul3A_206 : vector<16xf32> to vector<16xi32>
      %jit3A_208 = arith.constant 0 : i32
      %jit3A_209 = arith.constant 67 : i32
      %max3A_210 = vector.broadcast %jit3A_208 : i32 to vector<16xi32>
      %max3A_211 = arith.maxsi %max3A_210, %convert_element_type3A_207 : vector<16xi32>
      %min3A_212 = vector.broadcast %jit3A_209 : i32 to vector<16xi32>
      %min3A_213 = arith.minsi %min3A_212, %max3A_211 : vector<16xi32>
      %gather3A_214 = tpu.vector_load_idx %arg8[%min3A_200] : memref<101xf32, #tpu.memory_space<vmem>>[vector<16xi32>], vector<16xf32>,
      %add3A_215 = arith.constant 1 : i32
      %add3A_216 = vector.broadcast %add3A_215 : i32 to vector<16xi32>
      %add3A_217 = arith.addi %min3A_200, %add3A_216 : vector<16xi32>
      %gather3A_218 = tpu.vector_load_idx %arg8[%add3A_217] : memref<101xf32, #tpu.memory_space<vmem>>[vector<16xi32>], vector<16xf32>,
      %gather3A_219 = tpu.vector_load_idx %arg9[%min3A_213] : memref<69xf32, #tpu.memory_space<vmem>>[vector<16xi32>], vector<16xf32>,
      %add3A_220 = arith.constant 1 : i32
      %add3A_221 = vector.broadcast %add3A_220 : i32 to vector<16xi32>
      %add3A_222 = arith.addi %min3A_213, %add3A_221 : vector<16xi32>
      %gather3A_223 = tpu.vector_load_idx %arg9[%add3A_222] : memref<69xf32, #tpu.memory_space<vmem>>[vector<16xi32>], vector<16xf32>,
      %sub3A_224 = arith.subf %gather3A, %gather3A_214 : vector<16xf32>
      %sub3A_225 = arith.subf %gather3A, %gather3A_218 : vector<16xf32>
      %sub3A_226 = arith.subf %gather3A_192, %gather3A_219 : vector<16xf32>
      %sub3A_227 = arith.subf %gather3A_192, %gather3A_223 : vector<16xf32>
      %mul3A_228 = arith.mulf %sub3A_224, %sub3A_224 : vector<16xf32>
      %mul3A_229 = arith.mulf %sub3A_225, %sub3A_225 : vector<16xf32>
      %mul3A_230 = arith.mulf %sub3A_226, %sub3A_226 : vector<16xf32>
      %mul3A_231 = arith.mulf %sub3A_227, %sub3A_227 : vector<16xf32>
      %mul3A_232 = arith.constant 69 : i32
      %mul3A_233 = vector.broadcast %mul3A_232 : i32 to vector<16xi32>
      %mul3A_234 = arith.muli %min3A_200, %mul3A_233 : vector<16xi32>
      %add3A_235 = arith.addi %mul3A_234, %min3A_213 : vector<16xi32>
      %add3A_236 = arith.addf %mul3A_228, %mul3A_230 : vector<16xf32>
      %add3A_237 = arith.addf %mul3A_228, %mul3A_231 : vector<16xf32>
      %add3A_238 = arith.constant 1 : i32
      %add3A_239 = vector.broadcast %add3A_238 : i32 to vector<16xi32>
      %add3A_240 = arith.addi %add3A_235, %add3A_239 : vector<16xi32>
      %add3A_241 = arith.addf %mul3A_229, %mul3A_230 : vector<16xf32>
      %add3A_242 = arith.constant 69 : i32
      %add3A_243 = vector.broadcast %add3A_242 : i32 to vector<16xi32>
      %add3A_244 = arith.addi %add3A_235, %add3A_243 : vector<16xi32>
      %add3A_245 = arith.addf %mul3A_229, %mul3A_231 : vector<16xf32>
      %add3A_246 = arith.constant 69 : i32
      %add3A_247 = vector.broadcast %add3A_246 : i32 to vector<16xi32>
      %add3A_248 = arith.addi %add3A_235, %add3A_247 : vector<16xi32>
      %add3A_249 = arith.constant 1 : i32
      %add3A_250 = vector.broadcast %add3A_249 : i32 to vector<16xi32>
      %add3A_251 = arith.addi %add3A_248, %add3A_250 : vector<16xi32>
      %lt3A = arith.cmpf olt, %add3A_237, %add3A_236 : vector<16xf32>
      %select_n3A = arith.select %lt3A, %add3A_237, %add3A_236 : vector<16xi1>, vector<16xf32>
      %select_n3A_252 = arith.select %lt3A, %add3A_240, %add3A_235 : vector<16xi1>, vector<16xi32>
      %lt3A_253 = arith.cmpf olt, %add3A_241, %select_n3A : vector<16xf32>
      %select_n3A_254 = arith.select %lt3A_253, %add3A_241, %select_n3A : vector<16xi1>, vector<16xf32>
      %select_n3A_255 = arith.select %lt3A_253, %add3A_244, %select_n3A_252 : vector<16xi1>, vector<16xi32>
      %lt3A_256 = arith.cmpf olt, %add3A_245, %select_n3A_254 : vector<16xf32>
      %select_n3A_257 = arith.select %lt3A_256, %add3A_245, %select_n3A_254 : vector<16xi1>, vector<16xf32>
      %select_n3A_258 = arith.select %lt3A_256, %add3A_251, %select_n3A_255 : vector<16xi1>, vector<16xi32>
      %mul3A_259 = arith.constant 16 : i32
      %mul3A_260 = arith.muli %scan3A_183, %mul3A_259 : i32
      %swap3A = arith.index_cast %mul3A_260 : i32 to index
      %swap3A_261 = tpu.vector_load %arg10[%swap3A] {strides = array<i32>} : memref<256xi32, #tpu.memory_space<vmem>>, vector<16xi32>,
      tpu.vector_store %arg10[%swap3A], %select_n3A_258 {strides = array<i32>} : memref<256xi32, #tpu.memory_space<vmem>>, vector<16xi32>,
    }
    %scan3A_12 = arith.constant 4 : i32
    %dma_start3A_13 = arith.constant 0 : i32
    %dma_start3A_14 = arith.constant 0 : i32
    %dma_start3A_15 = tpu.memref_slice %arg11[%dma_start3A_13, %dma_start3A_14] : memref<256x256xf32, #tpu.memory_space<vmem>> -> memref<64x256xf32, #tpu.memory_space<vmem>>
    %dma_start3A_16 = arith.constant 0 : i32
    %dma_start3A_17 = tpu.memref_slice %arg10[%dma_start3A_16] : memref<256xi32, #tpu.memory_space<vmem>> -> memref<64xi32, #tpu.memory_space<vmem>>
    %dma_start3A_18 = arith.constant 0 : i32
    %dma_start3A_19 = arith.constant 0 : i32
    %dma_start3A_20 = tpu.memref_slice %arg5[%dma_start3A_18, %dma_start3A_19] : memref<6969x256xf32, #tpu.memory_space<hbm>> -> memref<6969x256xf32, #tpu.memory_space<hbm>>
    tpu.enqueue_indirect_dma source(%dma_start3A_20 : memref<6969x256xf32, #tpu.memory_space<hbm>>) target(%dma_start3A_15 : memref<64x256xf32, #tpu.memory_space<vmem>>) offsets(%dma_start3A_17 : memref<64xi32, #tpu.memory_space<vmem>>) semaphore(%arg12 : memref<!tpu.dma_semaphore, #tpu.memory_space<semaphore_mem>>)
    %scan3A_21 = arith.constant 0 : i32
    %scan3A_22 = arith.constant 4 : i32
    %scan3A_23 = arith.constant 4 : i32
    %scan3A_24 = arith.addi %scan3A_22, %scan3A_23 : i32
    %scan3A_25 = arith.constant 1 : i32
    scf.for %scan3A_183 = %scan3A_22 to %scan3A_24 step %scan3A_25  : i32 {
      %mul3A_184 = arith.constant 16 : i32
      %mul3A_185 = arith.muli %scan3A_183, %mul3A_184 : i32
      %add3A_186 = vector.broadcast %mul3A_185 : i32 to vector<16xi32>
      %add3A_187 = arith.addi %iota3A, %add3A_186 : vector<16xi32>
      %mul3A_188 = arith.constant 2 : i32
      %mul3A_189 = vector.broadcast %mul3A_188 : i32 to vector<16xi32>
      %mul3A_190 = arith.muli %add3A_187, %mul3A_189 : vector<16xi32>
      %gather3A = tpu.vector_load_idx %arg7[%mul3A_190] : memref<512xf32, #tpu.memory_space<vmem>>[vector<16xi32>], vector<16xf32>,
      %add3A_191 = arith.addi %mul3A_190, %broadcast_in_dim3A_7 : vector<16xi32>
      %gather3A_192 = tpu.vector_load_idx %arg7[%add3A_191] : memref<512xf32, #tpu.memory_space<vmem>>[vector<16xi32>], vector<16xf32>,
      %sub3A = arith.constant 3.735000e+01 : f32
      %sub3A_193 = vector.broadcast %sub3A : f32 to vector<16xf32>
      %sub3A_194 = arith.subf %gather3A, %sub3A_193 : vector<16xf32>
      %mul3A_195 = arith.constant 2.000000e+02 : f32
      %mul3A_196 = vector.broadcast %mul3A_195 : f32 to vector<16xf32>
      %mul3A_197 = arith.mulf %sub3A_194, %mul3A_196 : vector<16xf32>
      %convert_element_type3A = arith.fptosi %mul3A_197 : vector<16xf32> to vector<16xi32>
      %jit3A = arith.constant 0 : i32
      %jit3A_198 = arith.constant 99 : i32
      %max3A = vector.broadcast %jit3A : i32 to vector<16xi32>
      %max3A_199 = arith.maxsi %max3A, %convert_element_type3A : vector<16xi32>
      %min3A = vector.broadcast %jit3A_198 : i32 to vector<16xi32>
      %min3A_200 = arith.minsi %min3A, %max3A_199 : vector<16xi32>
      %sub3A_201 = arith.constant 5.558000e+01 : f32
      %sub3A_202 = vector.broadcast %sub3A_201 : f32 to vector<16xf32>
      %sub3A_203 = arith.subf %gather3A_192, %sub3A_202 : vector<16xf32>
      %mul3A_204 = arith.constant 2.000000e+02 : f32
      %mul3A_205 = vector.broadcast %mul3A_204 : f32 to vector<16xf32>
      %mul3A_206 = arith.mulf %sub3A_203, %mul3A_205 : vector<16xf32>
      %convert_element_type3A_207 = arith.fptosi %mul3A_206 : vector<16xf32> to vector<16xi32>
      %jit3A_208 = arith.constant 0 : i32
      %jit3A_209 = arith.constant 67 : i32
      %max3A_210 = vector.broadcast %jit3A_208 : i32 to vector<16xi32>
      %max3A_211 = arith.maxsi %max3A_210, %convert_element_type3A_207 : vector<16xi32>
      %min3A_212 = vector.broadcast %jit3A_209 : i32 to vector<16xi32>
      %min3A_213 = arith.minsi %min3A_212, %max3A_211 : vector<16xi32>
      %gather3A_214 = tpu.vector_load_idx %arg8[%min3A_200] : memref<101xf32, #tpu.memory_space<vmem>>[vector<16xi32>], vector<16xf32>,
      %add3A_215 = arith.constant 1 : i32
      %add3A_216 = vector.broadcast %add3A_215 : i32 to vector<16xi32>
      %add3A_217 = arith.addi %min3A_200, %add3A_216 : vector<16xi32>
      %gather3A_218 = tpu.vector_load_idx %arg8[%add3A_217] : memref<101xf32, #tpu.memory_space<vmem>>[vector<16xi32>], vector<16xf32>,
      %gather3A_219 = tpu.vector_load_idx %arg9[%min3A_213] : memref<69xf32, #tpu.memory_space<vmem>>[vector<16xi32>], vector<16xf32>,
      %add3A_220 = arith.constant 1 : i32
      %add3A_221 = vector.broadcast %add3A_220 : i32 to vector<16xi32>
      %add3A_222 = arith.addi %min3A_213, %add3A_221 : vector<16xi32>
      %gather3A_223 = tpu.vector_load_idx %arg9[%add3A_222] : memref<69xf32, #tpu.memory_space<vmem>>[vector<16xi32>], vector<16xf32>,
      %sub3A_224 = arith.subf %gather3A, %gather3A_214 : vector<16xf32>
      %sub3A_225 = arith.subf %gather3A, %gather3A_218 : vector<16xf32>
      %sub3A_226 = arith.subf %gather3A_192, %gather3A_219 : vector<16xf32>
      %sub3A_227 = arith.subf %gather3A_192, %gather3A_223 : vector<16xf32>
      %mul3A_228 = arith.mulf %sub3A_224, %sub3A_224 : vector<16xf32>
      %mul3A_229 = arith.mulf %sub3A_225, %sub3A_225 : vector<16xf32>
      %mul3A_230 = arith.mulf %sub3A_226, %sub3A_226 : vector<16xf32>
      %mul3A_231 = arith.mulf %sub3A_227, %sub3A_227 : vector<16xf32>
      %mul3A_232 = arith.constant 69 : i32
      %mul3A_233 = vector.broadcast %mul3A_232 : i32 to vector<16xi32>
      %mul3A_234 = arith.muli %min3A_200, %mul3A_233 : vector<16xi32>
      %add3A_235 = arith.addi %mul3A_234, %min3A_213 : vector<16xi32>
      %add3A_236 = arith.addf %mul3A_228, %mul3A_230 : vector<16xf32>
      %add3A_237 = arith.addf %mul3A_228, %mul3A_231 : vector<16xf32>
      %add3A_238 = arith.constant 1 : i32
      %add3A_239 = vector.broadcast %add3A_238 : i32 to vector<16xi32>
      %add3A_240 = arith.addi %add3A_235, %add3A_239 : vector<16xi32>
      %add3A_241 = arith.addf %mul3A_229, %mul3A_230 : vector<16xf32>
      %add3A_242 = arith.constant 69 : i32
      %add3A_243 = vector.broadcast %add3A_242 : i32 to vector<16xi32>
      %add3A_244 = arith.addi %add3A_235, %add3A_243 : vector<16xi32>
      %add3A_245 = arith.addf %mul3A_229, %mul3A_231 : vector<16xf32>
      %add3A_246 = arith.constant 69 : i32
      %add3A_247 = vector.broadcast %add3A_246 : i32 to vector<16xi32>
      %add3A_248 = arith.addi %add3A_235, %add3A_247 : vector<16xi32>
      %add3A_249 = arith.constant 1 : i32
      %add3A_250 = vector.broadcast %add3A_249 : i32 to vector<16xi32>
      %add3A_251 = arith.addi %add3A_248, %add3A_250 : vector<16xi32>
      %lt3A = arith.cmpf olt, %add3A_237, %add3A_236 : vector<16xf32>
      %select_n3A = arith.select %lt3A, %add3A_237, %add3A_236 : vector<16xi1>, vector<16xf32>
      %select_n3A_252 = arith.select %lt3A, %add3A_240, %add3A_235 : vector<16xi1>, vector<16xi32>
      %lt3A_253 = arith.cmpf olt, %add3A_241, %select_n3A : vector<16xf32>
      %select_n3A_254 = arith.select %lt3A_253, %add3A_241, %select_n3A : vector<16xi1>, vector<16xf32>
      %select_n3A_255 = arith.select %lt3A_253, %add3A_244, %select_n3A_252 : vector<16xi1>, vector<16xi32>
      %lt3A_256 = arith.cmpf olt, %add3A_245, %select_n3A_254 : vector<16xf32>
      %select_n3A_257 = arith.select %lt3A_256, %add3A_245, %select_n3A_254 : vector<16xi1>, vector<16xf32>
      %select_n3A_258 = arith.select %lt3A_256, %add3A_251, %select_n3A_255 : vector<16xi1>, vector<16xi32>
      %mul3A_259 = arith.constant 16 : i32
      %mul3A_260 = arith.muli %scan3A_183, %mul3A_259 : i32
      %swap3A = arith.index_cast %mul3A_260 : i32 to index
      %swap3A_261 = tpu.vector_load %arg10[%swap3A] {strides = array<i32>} : memref<256xi32, #tpu.memory_space<vmem>>, vector<16xi32>,
      tpu.vector_store %arg10[%swap3A], %select_n3A_258 {strides = array<i32>} : memref<256xi32, #tpu.memory_space<vmem>>, vector<16xi32>,
    }
    %scan3A_26 = arith.constant 4 : i32
    %dma_start3A_27 = arith.constant 64 : i32
    %dma_start3A_28 = arith.constant 0 : i32
    %dma_start3A_29 = tpu.memref_slice %arg11[%dma_start3A_27, %dma_start3A_28] : memref<256x256xf32, #tpu.memory_space<vmem>> -> memref<64x256xf32, #tpu.memory_space<vmem>>
    %dma_start3A_30 = arith.constant 64 : i32
    %dma_start3A_31 = tpu.memref_slice %arg10[%dma_start3A_30] : memref<256xi32, #tpu.memory_space<vmem>> -> memref<64xi32, #tpu.memory_space<vmem>>
    %dma_start3A_32 = arith.constant 0 : i32
    %dma_start3A_33 = arith.constant 0 : i32
    %dma_start3A_34 = tpu.memref_slice %arg5[%dma_start3A_32, %dma_start3A_33] : memref<6969x256xf32, #tpu.memory_space<hbm>> -> memref<6969x256xf32, #tpu.memory_space<hbm>>
    tpu.enqueue_indirect_dma source(%dma_start3A_34 : memref<6969x256xf32, #tpu.memory_space<hbm>>) target(%dma_start3A_29 : memref<64x256xf32, #tpu.memory_space<vmem>>) offsets(%dma_start3A_31 : memref<64xi32, #tpu.memory_space<vmem>>) semaphore(%arg12 : memref<!tpu.dma_semaphore, #tpu.memory_space<semaphore_mem>>)
    %scan3A_35 = arith.constant 0 : i32
    %scan3A_36 = arith.constant 8 : i32
    %scan3A_37 = arith.constant 4 : i32
    %scan3A_38 = arith.addi %scan3A_36, %scan3A_37 : i32
    %scan3A_39 = arith.constant 1 : i32
    scf.for %scan3A_183 = %scan3A_36 to %scan3A_38 step %scan3A_39  : i32 {
      %mul3A_184 = arith.constant 16 : i32
      %mul3A_185 = arith.muli %scan3A_183, %mul3A_184 : i32
      %add3A_186 = vector.broadcast %mul3A_185 : i32 to vector<16xi32>
      %add3A_187 = arith.addi %iota3A, %add3A_186 : vector<16xi32>
      %mul3A_188 = arith.constant 2 : i32
      %mul3A_189 = vector.broadcast %mul3A_188 : i32 to vector<16xi32>
      %mul3A_190 = arith.muli %add3A_187, %mul3A_189 : vector<16xi32>
      %gather3A = tpu.vector_load_idx %arg7[%mul3A_190] : memref<512xf32, #tpu.memory_space<vmem>>[vector<16xi32>], vector<16xf32>,
      %add3A_191 = arith.addi %mul3A_190, %broadcast_in_dim3A_7 : vector<16xi32>
      %gather3A_192 = tpu.vector_load_idx %arg7[%add3A_191] : memref<512xf32, #tpu.memory_space<vmem>>[vector<16xi32>], vector<16xf32>,
      %sub3A = arith.constant 3.735000e+01 : f32
      %sub3A_193 = vector.broadcast %sub3A : f32 to vector<16xf32>
      %sub3A_194 = arith.subf %gather3A, %sub3A_193 : vector<16xf32>
      %mul3A_195 = arith.constant 2.000000e+02 : f32
      %mul3A_196 = vector.broadcast %mul3A_195 : f32 to vector<16xf32>
      %mul3A_197 = arith.mulf %sub3A_194, %mul3A_196 : vector<16xf32>
      %convert_element_type3A = arith.fptosi %mul3A_197 : vector<16xf32> to vector<16xi32>
      %jit3A = arith.constant 0 : i32
      %jit3A_198 = arith.constant 99 : i32
      %max3A = vector.broadcast %jit3A : i32 to vector<16xi32>
      %max3A_199 = arith.maxsi %max3A, %convert_element_type3A : vector<16xi32>
      %min3A = vector.broadcast %jit3A_198 : i32 to vector<16xi32>
      %min3A_200 = arith.minsi %min3A, %max3A_199 : vector<16xi32>
      %sub3A_201 = arith.constant 5.558000e+01 : f32
      %sub3A_202 = vector.broadcast %sub3A_201 : f32 to vector<16xf32>
      %sub3A_203 = arith.subf %gather3A_192, %sub3A_202 : vector<16xf32>
      %mul3A_204 = arith.constant 2.000000e+02 : f32
      %mul3A_205 = vector.broadcast %mul3A_204 : f32 to vector<16xf32>
      %mul3A_206 = arith.mulf %sub3A_203, %mul3A_205 : vector<16xf32>
      %convert_element_type3A_207 = arith.fptosi %mul3A_206 : vector<16xf32> to vector<16xi32>
      %jit3A_208 = arith.constant 0 : i32
      %jit3A_209 = arith.constant 67 : i32
      %max3A_210 = vector.broadcast %jit3A_208 : i32 to vector<16xi32>
      %max3A_211 = arith.maxsi %max3A_210, %convert_element_type3A_207 : vector<16xi32>
      %min3A_212 = vector.broadcast %jit3A_209 : i32 to vector<16xi32>
      %min3A_213 = arith.minsi %min3A_212, %max3A_211 : vector<16xi32>
      %gather3A_214 = tpu.vector_load_idx %arg8[%min3A_200] : memref<101xf32, #tpu.memory_space<vmem>>[vector<16xi32>], vector<16xf32>,
      %add3A_215 = arith.constant 1 : i32
      %add3A_216 = vector.broadcast %add3A_215 : i32 to vector<16xi32>
      %add3A_217 = arith.addi %min3A_200, %add3A_216 : vector<16xi32>
      %gather3A_218 = tpu.vector_load_idx %arg8[%add3A_217] : memref<101xf32, #tpu.memory_space<vmem>>[vector<16xi32>], vector<16xf32>,
      %gather3A_219 = tpu.vector_load_idx %arg9[%min3A_213] : memref<69xf32, #tpu.memory_space<vmem>>[vector<16xi32>], vector<16xf32>,
      %add3A_220 = arith.constant 1 : i32
      %add3A_221 = vector.broadcast %add3A_220 : i32 to vector<16xi32>
      %add3A_222 = arith.addi %min3A_213, %add3A_221 : vector<16xi32>
      %gather3A_223 = tpu.vector_load_idx %arg9[%add3A_222] : memref<69xf32, #tpu.memory_space<vmem>>[vector<16xi32>], vector<16xf32>,
      %sub3A_224 = arith.subf %gather3A, %gather3A_214 : vector<16xf32>
      %sub3A_225 = arith.subf %gather3A, %gather3A_218 : vector<16xf32>
      %sub3A_226 = arith.subf %gather3A_192, %gather3A_219 : vector<16xf32>
      %sub3A_227 = arith.subf %gather3A_192, %gather3A_223 : vector<16xf32>
      %mul3A_228 = arith.mulf %sub3A_224, %sub3A_224 : vector<16xf32>
      %mul3A_229 = arith.mulf %sub3A_225, %sub3A_225 : vector<16xf32>
      %mul3A_230 = arith.mulf %sub3A_226, %sub3A_226 : vector<16xf32>
      %mul3A_231 = arith.mulf %sub3A_227, %sub3A_227 : vector<16xf32>
      %mul3A_232 = arith.constant 69 : i32
      %mul3A_233 = vector.broadcast %mul3A_232 : i32 to vector<16xi32>
      %mul3A_234 = arith.muli %min3A_200, %mul3A_233 : vector<16xi32>
      %add3A_235 = arith.addi %mul3A_234, %min3A_213 : vector<16xi32>
      %add3A_236 = arith.addf %mul3A_228, %mul3A_230 : vector<16xf32>
      %add3A_237 = arith.addf %mul3A_228, %mul3A_231 : vector<16xf32>
      %add3A_238 = arith.constant 1 : i32
      %add3A_239 = vector.broadcast %add3A_238 : i32 to vector<16xi32>
      %add3A_240 = arith.addi %add3A_235, %add3A_239 : vector<16xi32>
      %add3A_241 = arith.addf %mul3A_229, %mul3A_230 : vector<16xf32>
      %add3A_242 = arith.constant 69 : i32
      %add3A_243 = vector.broadcast %add3A_242 : i32 to vector<16xi32>
      %add3A_244 = arith.addi %add3A_235, %add3A_243 : vector<16xi32>
      %add3A_245 = arith.addf %mul3A_229, %mul3A_231 : vector<16xf32>
      %add3A_246 = arith.constant 69 : i32
      %add3A_247 = vector.broadcast %add3A_246 : i32 to vector<16xi32>
      %add3A_248 = arith.addi %add3A_235, %add3A_247 : vector<16xi32>
      %add3A_249 = arith.constant 1 : i32
      %add3A_250 = vector.broadcast %add3A_249 : i32 to vector<16xi32>
      %add3A_251 = arith.addi %add3A_248, %add3A_250 : vector<16xi32>
      %lt3A = arith.cmpf olt, %add3A_237, %add3A_236 : vector<16xf32>
      %select_n3A = arith.select %lt3A, %add3A_237, %add3A_236 : vector<16xi1>, vector<16xf32>
      %select_n3A_252 = arith.select %lt3A, %add3A_240, %add3A_235 : vector<16xi1>, vector<16xi32>
      %lt3A_253 = arith.cmpf olt, %add3A_241, %select_n3A : vector<16xf32>
      %select_n3A_254 = arith.select %lt3A_253, %add3A_241, %select_n3A : vector<16xi1>, vector<16xf32>
      %select_n3A_255 = arith.select %lt3A_253, %add3A_244, %select_n3A_252 : vector<16xi1>, vector<16xi32>
      %lt3A_256 = arith.cmpf olt, %add3A_245, %select_n3A_254 : vector<16xf32>
      %select_n3A_257 = arith.select %lt3A_256, %add3A_245, %select_n3A_254 : vector<16xi1>, vector<16xf32>
      %select_n3A_258 = arith.select %lt3A_256, %add3A_251, %select_n3A_255 : vector<16xi1>, vector<16xi32>
      %mul3A_259 = arith.constant 16 : i32
      %mul3A_260 = arith.muli %scan3A_183, %mul3A_259 : i32
      %swap3A = arith.index_cast %mul3A_260 : i32 to index
      %swap3A_261 = tpu.vector_load %arg10[%swap3A] {strides = array<i32>} : memref<256xi32, #tpu.memory_space<vmem>>, vector<16xi32>,
      tpu.vector_store %arg10[%swap3A], %select_n3A_258 {strides = array<i32>} : memref<256xi32, #tpu.memory_space<vmem>>, vector<16xi32>,
    }
    %scan3A_40 = arith.constant 4 : i32
    %dma_start3A_41 = arith.constant 128 : i32
    %dma_start3A_42 = arith.constant 0 : i32
    %dma_start3A_43 = tpu.memref_slice %arg11[%dma_start3A_41, %dma_start3A_42] : memref<256x256xf32, #tpu.memory_space<vmem>> -> memref<64x256xf32, #tpu.memory_space<vmem>>
    %dma_start3A_44 = arith.constant 128 : i32
    %dma_start3A_45 = tpu.memref_slice %arg10[%dma_start3A_44] : memref<256xi32, #tpu.memory_space<vmem>> -> memref<64xi32, #tpu.memory_space<vmem>>
    %dma_start3A_46 = arith.constant 0 : i32
    %dma_start3A_47 = arith.constant 0 : i32
    %dma_start3A_48 = tpu.memref_slice %arg5[%dma_start3A_46, %dma_start3A_47] : memref<6969x256xf32, #tpu.memory_space<hbm>> -> memref<6969x256xf32, #tpu.memory_space<hbm>>
    tpu.enqueue_indirect_dma source(%dma_start3A_48 : memref<6969x256xf32, #tpu.memory_space<hbm>>) target(%dma_start3A_43 : memref<64x256xf32, #tpu.memory_space<vmem>>) offsets(%dma_start3A_45 : memref<64xi32, #tpu.memory_space<vmem>>) semaphore(%arg12 : memref<!tpu.dma_semaphore, #tpu.memory_space<semaphore_mem>>)
    %scan3A_49 = arith.constant 0 : i32
    %scan3A_50 = arith.constant 12 : i32
    %scan3A_51 = arith.constant 4 : i32
    %scan3A_52 = arith.addi %scan3A_50, %scan3A_51 : i32
    %scan3A_53 = arith.constant 1 : i32
    scf.for %scan3A_183 = %scan3A_50 to %scan3A_52 step %scan3A_53  : i32 {
      %mul3A_184 = arith.constant 16 : i32
      %mul3A_185 = arith.muli %scan3A_183, %mul3A_184 : i32
      %add3A_186 = vector.broadcast %mul3A_185 : i32 to vector<16xi32>
      %add3A_187 = arith.addi %iota3A, %add3A_186 : vector<16xi32>
      %mul3A_188 = arith.constant 2 : i32
      %mul3A_189 = vector.broadcast %mul3A_188 : i32 to vector<16xi32>
      %mul3A_190 = arith.muli %add3A_187, %mul3A_189 : vector<16xi32>
      %gather3A = tpu.vector_load_idx %arg7[%mul3A_190] : memref<512xf32, #tpu.memory_space<vmem>>[vector<16xi32>], vector<16xf32>,
      %add3A_191 = arith.addi %mul3A_190, %broadcast_in_dim3A_7 : vector<16xi32>
      %gather3A_192 = tpu.vector_load_idx %arg7[%add3A_191] : memref<512xf32, #tpu.memory_space<vmem>>[vector<16xi32>], vector<16xf32>,
      %sub3A = arith.constant 3.735000e+01 : f32
      %sub3A_193 = vector.broadcast %sub3A : f32 to vector<16xf32>
      %sub3A_194 = arith.subf %gather3A, %sub3A_193 : vector<16xf32>
      %mul3A_195 = arith.constant 2.000000e+02 : f32
      %mul3A_196 = vector.broadcast %mul3A_195 : f32 to vector<16xf32>
      %mul3A_197 = arith.mulf %sub3A_194, %mul3A_196 : vector<16xf32>
      %convert_element_type3A = arith.fptosi %mul3A_197 : vector<16xf32> to vector<16xi32>
      %jit3A = arith.constant 0 : i32
      %jit3A_198 = arith.constant 99 : i32
      %max3A = vector.broadcast %jit3A : i32 to vector<16xi32>
      %max3A_199 = arith.maxsi %max3A, %convert_element_type3A : vector<16xi32>
      %min3A = vector.broadcast %jit3A_198 : i32 to vector<16xi32>
      %min3A_200 = arith.minsi %min3A, %max3A_199 : vector<16xi32>
      %sub3A_201 = arith.constant 5.558000e+01 : f32
      %sub3A_202 = vector.broadcast %sub3A_201 : f32 to vector<16xf32>
      %sub3A_203 = arith.subf %gather3A_192, %sub3A_202 : vector<16xf32>
      %mul3A_204 = arith.constant 2.000000e+02 : f32
      %mul3A_205 = vector.broadcast %mul3A_204 : f32 to vector<16xf32>
      %mul3A_206 = arith.mulf %sub3A_203, %mul3A_205 : vector<16xf32>
      %convert_element_type3A_207 = arith.fptosi %mul3A_206 : vector<16xf32> to vector<16xi32>
      %jit3A_208 = arith.constant 0 : i32
      %jit3A_209 = arith.constant 67 : i32
      %max3A_210 = vector.broadcast %jit3A_208 : i32 to vector<16xi32>
      %max3A_211 = arith.maxsi %max3A_210, %convert_element_type3A_207 : vector<16xi32>
      %min3A_212 = vector.broadcast %jit3A_209 : i32 to vector<16xi32>
      %min3A_213 = arith.minsi %min3A_212, %max3A_211 : vector<16xi32>
      %gather3A_214 = tpu.vector_load_idx %arg8[%min3A_200] : memref<101xf32, #tpu.memory_space<vmem>>[vector<16xi32>], vector<16xf32>,
      %add3A_215 = arith.constant 1 : i32
      %add3A_216 = vector.broadcast %add3A_215 : i32 to vector<16xi32>
      %add3A_217 = arith.addi %min3A_200, %add3A_216 : vector<16xi32>
      %gather3A_218 = tpu.vector_load_idx %arg8[%add3A_217] : memref<101xf32, #tpu.memory_space<vmem>>[vector<16xi32>], vector<16xf32>,
      %gather3A_219 = tpu.vector_load_idx %arg9[%min3A_213] : memref<69xf32, #tpu.memory_space<vmem>>[vector<16xi32>], vector<16xf32>,
      %add3A_220 = arith.constant 1 : i32
      %add3A_221 = vector.broadcast %add3A_220 : i32 to vector<16xi32>
      %add3A_222 = arith.addi %min3A_213, %add3A_221 : vector<16xi32>
      %gather3A_223 = tpu.vector_load_idx %arg9[%add3A_222] : memref<69xf32, #tpu.memory_space<vmem>>[vector<16xi32>], vector<16xf32>,
      %sub3A_224 = arith.subf %gather3A, %gather3A_214 : vector<16xf32>
      %sub3A_225 = arith.subf %gather3A, %gather3A_218 : vector<16xf32>
      %sub3A_226 = arith.subf %gather3A_192, %gather3A_219 : vector<16xf32>
      %sub3A_227 = arith.subf %gather3A_192, %gather3A_223 : vector<16xf32>
      %mul3A_228 = arith.mulf %sub3A_224, %sub3A_224 : vector<16xf32>
      %mul3A_229 = arith.mulf %sub3A_225, %sub3A_225 : vector<16xf32>
      %mul3A_230 = arith.mulf %sub3A_226, %sub3A_226 : vector<16xf32>
      %mul3A_231 = arith.mulf %sub3A_227, %sub3A_227 : vector<16xf32>
      %mul3A_232 = arith.constant 69 : i32
      %mul3A_233 = vector.broadcast %mul3A_232 : i32 to vector<16xi32>
      %mul3A_234 = arith.muli %min3A_200, %mul3A_233 : vector<16xi32>
      %add3A_235 = arith.addi %mul3A_234, %min3A_213 : vector<16xi32>
      %add3A_236 = arith.addf %mul3A_228, %mul3A_230 : vector<16xf32>
      %add3A_237 = arith.addf %mul3A_228, %mul3A_231 : vector<16xf32>
      %add3A_238 = arith.constant 1 : i32
      %add3A_239 = vector.broadcast %add3A_238 : i32 to vector<16xi32>
      %add3A_240 = arith.addi %add3A_235, %add3A_239 : vector<16xi32>
      %add3A_241 = arith.addf %mul3A_229, %mul3A_230 : vector<16xf32>
      %add3A_242 = arith.constant 69 : i32
      %add3A_243 = vector.broadcast %add3A_242 : i32 to vector<16xi32>
      %add3A_244 = arith.addi %add3A_235, %add3A_243 : vector<16xi32>
      %add3A_245 = arith.addf %mul3A_229, %mul3A_231 : vector<16xf32>
      %add3A_246 = arith.constant 69 : i32
      %add3A_247 = vector.broadcast %add3A_246 : i32 to vector<16xi32>
      %add3A_248 = arith.addi %add3A_235, %add3A_247 : vector<16xi32>
      %add3A_249 = arith.constant 1 : i32
      %add3A_250 = vector.broadcast %add3A_249 : i32 to vector<16xi32>
      %add3A_251 = arith.addi %add3A_248, %add3A_250 : vector<16xi32>
      %lt3A = arith.cmpf olt, %add3A_237, %add3A_236 : vector<16xf32>
      %select_n3A = arith.select %lt3A, %add3A_237, %add3A_236 : vector<16xi1>, vector<16xf32>
      %select_n3A_252 = arith.select %lt3A, %add3A_240, %add3A_235 : vector<16xi1>, vector<16xi32>
      %lt3A_253 = arith.cmpf olt, %add3A_241, %select_n3A : vector<16xf32>
      %select_n3A_254 = arith.select %lt3A_253, %add3A_241, %select_n3A : vector<16xi1>, vector<16xf32>
      %select_n3A_255 = arith.select %lt3A_253, %add3A_244, %select_n3A_252 : vector<16xi1>, vector<16xi32>
      %lt3A_256 = arith.cmpf olt, %add3A_245, %select_n3A_254 : vector<16xf32>
      %select_n3A_257 = arith.select %lt3A_256, %add3A_245, %select_n3A_254 : vector<16xi1>, vector<16xf32>
      %select_n3A_258 = arith.select %lt3A_256, %add3A_251, %select_n3A_255 : vector<16xi1>, vector<16xi32>
      %mul3A_259 = arith.constant 16 : i32
      %mul3A_260 = arith.muli %scan3A_183, %mul3A_259 : i32
      %swap3A = arith.index_cast %mul3A_260 : i32 to index
      %swap3A_261 = tpu.vector_load %arg10[%swap3A] {strides = array<i32>} : memref<256xi32, #tpu.memory_space<vmem>>, vector<16xi32>,
      tpu.vector_store %arg10[%swap3A], %select_n3A_258 {strides = array<i32>} : memref<256xi32, #tpu.memory_space<vmem>>, vector<16xi32>,
    }
    %scan3A_54 = arith.constant 4 : i32
    %dma_start3A_55 = arith.constant 192 : i32
    %dma_start3A_56 = arith.constant 0 : i32
    %dma_start3A_57 = tpu.memref_slice %arg11[%dma_start3A_55, %dma_start3A_56] : memref<256x256xf32, #tpu.memory_space<vmem>> -> memref<64x256xf32, #tpu.memory_space<vmem>>
    %dma_start3A_58 = arith.constant 192 : i32
    %dma_start3A_59 = tpu.memref_slice %arg10[%dma_start3A_58] : memref<256xi32, #tpu.memory_space<vmem>> -> memref<64xi32, #tpu.memory_space<vmem>>
    %dma_start3A_60 = arith.constant 0 : i32
    %dma_start3A_61 = arith.constant 0 : i32
    %dma_start3A_62 = tpu.memref_slice %arg5[%dma_start3A_60, %dma_start3A_61] : memref<6969x256xf32, #tpu.memory_space<hbm>> -> memref<6969x256xf32, #tpu.memory_space<hbm>>
    tpu.enqueue_indirect_dma source(%dma_start3A_62 : memref<6969x256xf32, #tpu.memory_space<hbm>>) target(%dma_start3A_57 : memref<64x256xf32, #tpu.memory_space<vmem>>) offsets(%dma_start3A_59 : memref<64xi32, #tpu.memory_space<vmem>>) semaphore(%arg12 : memref<!tpu.dma_semaphore, #tpu.memory_space<semaphore_mem>>)
    %dma_wait3A_63 = arith.constant 0 : i32
    %dma_wait3A_64 = arith.constant 0 : i32
    %dma_wait3A_65 = tpu.memref_slice %arg11[%dma_wait3A_63, %dma_wait3A_64] : memref<256x256xf32, #tpu.memory_space<vmem>> -> memref<64x256xf32, #tpu.memory_space<vmem>>
    %dma_wait3A_66 = arith.constant 0 : i32
    %dma_wait3A_67 = tpu.memref_slice %arg10[%dma_wait3A_66] : memref<256xi32, #tpu.memory_space<vmem>> -> memref<64xi32, #tpu.memory_space<vmem>>
    %dma_wait3A_68 = arith.constant 0 : i32
    %dma_wait3A_69 = arith.constant 0 : i32
    %dma_wait3A_70 = tpu.memref_slice %arg5[%dma_wait3A_68, %dma_wait3A_69] : memref<6969x256xf32, #tpu.memory_space<hbm>> -> memref<6969x256xf32, #tpu.memory_space<hbm>>
    tpu.wait_indirect_dma semaphore(%arg12 : memref<!tpu.dma_semaphore, #tpu.memory_space<semaphore_mem>>) src(%dma_wait3A_70 : memref<6969x256xf32, #tpu.memory_space<hbm>>) dst(%dma_wait3A_65 : memref<64x256xf32, #tpu.memory_space<vmem>>)
    %add3A_71 = arith.constant 0 : i32
    %add3A_72 = arith.addi %mul3A_2, %add3A_71 : i32
    %dma_start3A_73 = arith.constant 0 : i32
    %dma_start3A_74 = arith.constant 0 : i32
    %dma_start3A_75 = tpu.memref_slice %arg11[%dma_start3A_73, %dma_start3A_74] : memref<256x256xf32, #tpu.memory_space<vmem>> -> memref<64x256xf32, #tpu.memory_space<vmem>>
    %dma_start3A_76 = arith.constant 0 : i32
    %dma_start3A_77 = tpu.memref_slice %arg6[%add3A_72, %dma_start3A_76] : memref<8192x256xf32, #tpu.memory_space<hbm>> -> memref<64x256xf32, #tpu.memory_space<hbm>>
    %dma_start3A_78 = arith.constant 0 : i32
    %dma_start3A_79 = tpu.memref_slice %arg6[%add3A_72, %dma_start3A_78] : memref<8192x256xf32, #tpu.memory_space<hbm>> -> memref<64x256xf32, #tpu.memory_space<hbm>>
    %dma_start3A_80 = arith.constant 0 : i32
    %dma_start3A_81 = arith.constant 0 : i32
    %dma_start3A_82 = tpu.memref_slice %arg11[%dma_start3A_80, %dma_start3A_81] : memref<256x256xf32, #tpu.memory_space<vmem>> -> memref<64x256xf32, #tpu.memory_space<vmem>>
    tpu.enqueue_dma source(%dma_start3A_82 : memref<64x256xf32, #tpu.memory_space<vmem>>) target(%dma_start3A_79 : memref<64x256xf32, #tpu.memory_space<hbm>>) target_semaphore(%arg13 : memref<!tpu.dma_semaphore, #tpu.memory_space<semaphore_mem>>)
    %dma_wait3A_83 = arith.constant 64 : i32
    %dma_wait3A_84 = arith.constant 0 : i32
    %dma_wait3A_85 = tpu.memref_slice %arg11[%dma_wait3A_83, %dma_wait3A_84] : memref<256x256xf32, #tpu.memory_space<vmem>> -> memref<64x256xf32, #tpu.memory_space<vmem>>
    %dma_wait3A_86 = arith.constant 64 : i32
    %dma_wait3A_87 = tpu.memref_slice %arg10[%dma_wait3A_86] : memref<256xi32, #tpu.memory_space<vmem>> -> memref<64xi32, #tpu.memory_space<vmem>>
    %dma_wait3A_88 = arith.constant 0 : i32
    %dma_wait3A_89 = arith.constant 0 : i32
    %dma_wait3A_90 = tpu.memref_slice %arg5[%dma_wait3A_88, %dma_wait3A_89] : memref<6969x256xf32, #tpu.memory_space<hbm>> -> memref<6969x256xf32, #tpu.memory_space<hbm>>
    tpu.wait_indirect_dma semaphore(%arg12 : memref<!tpu.dma_semaphore, #tpu.memory_space<semaphore_mem>>) src(%dma_wait3A_90 : memref<6969x256xf32, #tpu.memory_space<hbm>>) dst(%dma_wait3A_85 : memref<64x256xf32, #tpu.memory_space<vmem>>)
    %add3A_91 = arith.constant 64 : i32
    %add3A_92 = arith.addi %mul3A_2, %add3A_91 : i32
    %dma_start3A_93 = arith.constant 64 : i32
    %dma_start3A_94 = arith.constant 0 : i32
    %dma_start3A_95 = tpu.memref_slice %arg11[%dma_start3A_93, %dma_start3A_94] : memref<256x256xf32, #tpu.memory_space<vmem>> -> memref<64x256xf32, #tpu.memory_space<vmem>>
    %dma_start3A_96 = arith.constant 0 : i32
    %dma_start3A_97 = tpu.memref_slice %arg6[%add3A_92, %dma_start3A_96] : memref<8192x256xf32, #tpu.memory_space<hbm>> -> memref<64x256xf32, #tpu.memory_space<hbm>>
    %dma_start3A_98 = arith.constant 0 : i32
    %dma_start3A_99 = tpu.memref_slice %arg6[%add3A_92, %dma_start3A_98] : memref<8192x256xf32, #tpu.memory_space<hbm>> -> memref<64x256xf32, #tpu.memory_space<hbm>>
    %dma_start3A_100 = arith.constant 64 : i32
    %dma_start3A_101 = arith.constant 0 : i32
    %dma_start3A_102 = tpu.memref_slice %arg11[%dma_start3A_100, %dma_start3A_101] : memref<256x256xf32, #tpu.memory_space<vmem>> -> memref<64x256xf32, #tpu.memory_space<vmem>>
    tpu.enqueue_dma source(%dma_start3A_102 : memref<64x256xf32, #tpu.memory_space<vmem>>) target(%dma_start3A_99 : memref<64x256xf32, #tpu.memory_space<hbm>>) target_semaphore(%arg13 : memref<!tpu.dma_semaphore, #tpu.memory_space<semaphore_mem>>)
    %dma_wait3A_103 = arith.constant 128 : i32
    %dma_wait3A_104 = arith.constant 0 : i32
    %dma_wait3A_105 = tpu.memref_slice %arg11[%dma_wait3A_103, %dma_wait3A_104] : memref<256x256xf32, #tpu.memory_space<vmem>> -> memref<64x256xf32, #tpu.memory_space<vmem>>
    %dma_wait3A_106 = arith.constant 128 : i32
    %dma_wait3A_107 = tpu.memref_slice %arg10[%dma_wait3A_106] : memref<256xi32, #tpu.memory_space<vmem>> -> memref<64xi32, #tpu.memory_space<vmem>>
    %dma_wait3A_108 = arith.constant 0 : i32
    %dma_wait3A_109 = arith.constant 0 : i32
    %dma_wait3A_110 = tpu.memref_slice %arg5[%dma_wait3A_108, %dma_wait3A_109] : memref<6969x256xf32, #tpu.memory_space<hbm>> -> memref<6969x256xf32, #tpu.memory_space<hbm>>
    tpu.wait_indirect_dma semaphore(%arg12 : memref<!tpu.dma_semaphore, #tpu.memory_space<semaphore_mem>>) src(%dma_wait3A_110 : memref<6969x256xf32, #tpu.memory_space<hbm>>) dst(%dma_wait3A_105 : memref<64x256xf32, #tpu.memory_space<vmem>>)
    %add3A_111 = arith.constant 128 : i32
    %add3A_112 = arith.addi %mul3A_2, %add3A_111 : i32
    %dma_start3A_113 = arith.constant 128 : i32
    %dma_start3A_114 = arith.constant 0 : i32
    %dma_start3A_115 = tpu.memref_slice %arg11[%dma_start3A_113, %dma_start3A_114] : memref<256x256xf32, #tpu.memory_space<vmem>> -> memref<64x256xf32, #tpu.memory_space<vmem>>
    %dma_start3A_116 = arith.constant 0 : i32
    %dma_start3A_117 = tpu.memref_slice %arg6[%add3A_112, %dma_start3A_116] : memref<8192x256xf32, #tpu.memory_space<hbm>> -> memref<64x256xf32, #tpu.memory_space<hbm>>
    %dma_start3A_118 = arith.constant 0 : i32
    %dma_start3A_119 = tpu.memref_slice %arg6[%add3A_112, %dma_start3A_118] : memref<8192x256xf32, #tpu.memory_space<hbm>> -> memref<64x256xf32, #tpu.memory_space<hbm>>
    %dma_start3A_120 = arith.constant 128 : i32
    %dma_start3A_121 = arith.constant 0 : i32
    %dma_start3A_122 = tpu.memref_slice %arg11[%dma_start3A_120, %dma_start3A_121] : memref<256x256xf32, #tpu.memory_space<vmem>> -> memref<64x256xf32, #tpu.memory_space<vmem>>
    tpu.enqueue_dma source(%dma_start3A_122 : memref<64x256xf32, #tpu.memory_space<vmem>>) target(%dma_start3A_119 : memref<64x256xf32, #tpu.memory_space<hbm>>) target_semaphore(%arg13 : memref<!tpu.dma_semaphore, #tpu.memory_space<semaphore_mem>>)
    %dma_wait3A_123 = arith.constant 192 : i32
    %dma_wait3A_124 = arith.constant 0 : i32
    %dma_wait3A_125 = tpu.memref_slice %arg11[%dma_wait3A_123, %dma_wait3A_124] : memref<256x256xf32, #tpu.memory_space<vmem>> -> memref<64x256xf32, #tpu.memory_space<vmem>>
    %dma_wait3A_126 = arith.constant 192 : i32
    %dma_wait3A_127 = tpu.memref_slice %arg10[%dma_wait3A_126] : memref<256xi32, #tpu.memory_space<vmem>> -> memref<64xi32, #tpu.memory_space<vmem>>
    %dma_wait3A_128 = arith.constant 0 : i32
    %dma_wait3A_129 = arith.constant 0 : i32
    %dma_wait3A_130 = tpu.memref_slice %arg5[%dma_wait3A_128, %dma_wait3A_129] : memref<6969x256xf32, #tpu.memory_space<hbm>> -> memref<6969x256xf32, #tpu.memory_space<hbm>>
    tpu.wait_indirect_dma semaphore(%arg12 : memref<!tpu.dma_semaphore, #tpu.memory_space<semaphore_mem>>) src(%dma_wait3A_130 : memref<6969x256xf32, #tpu.memory_space<hbm>>) dst(%dma_wait3A_125 : memref<64x256xf32, #tpu.memory_space<vmem>>)
    %add3A_131 = arith.constant 192 : i32
    %add3A_132 = arith.addi %mul3A_2, %add3A_131 : i32
    %dma_start3A_133 = arith.constant 192 : i32
    %dma_start3A_134 = arith.constant 0 : i32
    %dma_start3A_135 = tpu.memref_slice %arg11[%dma_start3A_133, %dma_start3A_134] : memref<256x256xf32, #tpu.memory_space<vmem>> -> memref<64x256xf32, #tpu.memory_space<vmem>>
    %dma_start3A_136 = arith.constant 0 : i32
    %dma_start3A_137 = tpu.memref_slice %arg6[%add3A_132, %dma_start3A_136] : memref<8192x256xf32, #tpu.memory_space<hbm>> -> memref<64x256xf32, #tpu.memory_space<hbm>>
    %dma_start3A_138 = arith.constant 0 : i32
    %dma_start3A_139 = tpu.memref_slice %arg6[%add3A_132, %dma_start3A_138] : memref<8192x256xf32, #tpu.memory_space<hbm>> -> memref<64x256xf32, #tpu.memory_space<hbm>>
    %dma_start3A_140 = arith.constant 192 : i32
    %dma_start3A_141 = arith.constant 0 : i32
    %dma_start3A_142 = tpu.memref_slice %arg11[%dma_start3A_140, %dma_start3A_141] : memref<256x256xf32, #tpu.memory_space<vmem>> -> memref<64x256xf32, #tpu.memory_space<vmem>>
    tpu.enqueue_dma source(%dma_start3A_142 : memref<64x256xf32, #tpu.memory_space<vmem>>) target(%dma_start3A_139 : memref<64x256xf32, #tpu.memory_space<hbm>>) target_semaphore(%arg13 : memref<!tpu.dma_semaphore, #tpu.memory_space<semaphore_mem>>)
    %dma_wait3A_143 = arith.constant 0 : i32
    %dma_wait3A_144 = arith.constant 0 : i32
    %dma_wait3A_145 = tpu.memref_slice %arg11[%dma_wait3A_143, %dma_wait3A_144] : memref<256x256xf32, #tpu.memory_space<vmem>> -> memref<64x256xf32, #tpu.memory_space<vmem>>
    %dma_wait3A_146 = arith.constant 0 : i32
    %dma_wait3A_147 = tpu.memref_slice %arg6[%add3A_72, %dma_wait3A_146] : memref<8192x256xf32, #tpu.memory_space<hbm>> -> memref<64x256xf32, #tpu.memory_space<hbm>>
    %dma_wait3A_148 = arith.constant 0 : i32
    %dma_wait3A_149 = tpu.memref_slice %arg6[%add3A_72, %dma_wait3A_148] : memref<8192x256xf32, #tpu.memory_space<hbm>> -> memref<64x256xf32, #tpu.memory_space<hbm>>
    %dma_wait3A_150 = arith.constant 0 : i32
    %dma_wait3A_151 = arith.constant 0 : i32
    %dma_wait3A_152 = tpu.memref_slice %arg11[%dma_wait3A_150, %dma_wait3A_151] : memref<256x256xf32, #tpu.memory_space<vmem>> -> memref<64x256xf32, #tpu.memory_space<vmem>>
    tpu.wait_dma2 semaphore(%arg13 : memref<!tpu.dma_semaphore, #tpu.memory_space<semaphore_mem>>) src(%dma_wait3A_152 : memref<64x256xf32, #tpu.memory_space<vmem>>) dst(%dma_wait3A_149 : memref<64x256xf32, #tpu.memory_space<hbm>>)
    %dma_wait3A_153 = arith.constant 64 : i32
    %dma_wait3A_154 = arith.constant 0 : i32
    %dma_wait3A_155 = tpu.memref_slice %arg11[%dma_wait3A_153, %dma_wait3A_154] : memref<256x256xf32, #tpu.memory_space<vmem>> -> memref<64x256xf32, #tpu.memory_space<vmem>>
    %dma_wait3A_156 = arith.constant 0 : i32
    %dma_wait3A_157 = tpu.memref_slice %arg6[%add3A_92, %dma_wait3A_156] : memref<8192x256xf32, #tpu.memory_space<hbm>> -> memref<64x256xf32, #tpu.memory_space<hbm>>
    %dma_wait3A_158 = arith.constant 0 : i32
    %dma_wait3A_159 = tpu.memref_slice %arg6[%add3A_92, %dma_wait3A_158] : memref<8192x256xf32, #tpu.memory_space<hbm>> -> memref<64x256xf32, #tpu.memory_space<hbm>>
    %dma_wait3A_160 = arith.constant 64 : i32
    %dma_wait3A_161 = arith.constant 0 : i32
    %dma_wait3A_162 = tpu.memref_slice %arg11[%dma_wait3A_160, %dma_wait3A_161] : memref<256x256xf32, #tpu.memory_space<vmem>> -> memref<64x256xf32, #tpu.memory_space<vmem>>
    tpu.wait_dma2 semaphore(%arg13 : memref<!tpu.dma_semaphore, #tpu.memory_space<semaphore_mem>>) src(%dma_wait3A_162 : memref<64x256xf32, #tpu.memory_space<vmem>>) dst(%dma_wait3A_159 : memref<64x256xf32, #tpu.memory_space<hbm>>)
    %dma_wait3A_163 = arith.constant 128 : i32
    %dma_wait3A_164 = arith.constant 0 : i32
    %dma_wait3A_165 = tpu.memref_slice %arg11[%dma_wait3A_163, %dma_wait3A_164] : memref<256x256xf32, #tpu.memory_space<vmem>> -> memref<64x256xf32, #tpu.memory_space<vmem>>
    %dma_wait3A_166 = arith.constant 0 : i32
    %dma_wait3A_167 = tpu.memref_slice %arg6[%add3A_112, %dma_wait3A_166] : memref<8192x256xf32, #tpu.memory_space<hbm>> -> memref<64x256xf32, #tpu.memory_space<hbm>>
    %dma_wait3A_168 = arith.constant 0 : i32
    %dma_wait3A_169 = tpu.memref_slice %arg6[%add3A_112, %dma_wait3A_168] : memref<8192x256xf32, #tpu.memory_space<hbm>> -> memref<64x256xf32, #tpu.memory_space<hbm>>
    %dma_wait3A_170 = arith.constant 128 : i32
    %dma_wait3A_171 = arith.constant 0 : i32
    %dma_wait3A_172 = tpu.memref_slice %arg11[%dma_wait3A_170, %dma_wait3A_171] : memref<256x256xf32, #tpu.memory_space<vmem>> -> memref<64x256xf32, #tpu.memory_space<vmem>>
    tpu.wait_dma2 semaphore(%arg13 : memref<!tpu.dma_semaphore, #tpu.memory_space<semaphore_mem>>) src(%dma_wait3A_172 : memref<64x256xf32, #tpu.memory_space<vmem>>) dst(%dma_wait3A_169 : memref<64x256xf32, #tpu.memory_space<hbm>>)
    %dma_wait3A_173 = arith.constant 192 : i32
    %dma_wait3A_174 = arith.constant 0 : i32
    %dma_wait3A_175 = tpu.memref_slice %arg11[%dma_wait3A_173, %dma_wait3A_174] : memref<256x256xf32, #tpu.memory_space<vmem>> -> memref<64x256xf32, #tpu.memory_space<vmem>>
    %dma_wait3A_176 = arith.constant 0 : i32
    %dma_wait3A_177 = tpu.memref_slice %arg6[%add3A_132, %dma_wait3A_176] : memref<8192x256xf32, #tpu.memory_space<hbm>> -> memref<64x256xf32, #tpu.memory_space<hbm>>
    %dma_wait3A_178 = arith.constant 0 : i32
    %dma_wait3A_179 = tpu.memref_slice %arg6[%add3A_132, %dma_wait3A_178] : memref<8192x256xf32, #tpu.memory_space<hbm>> -> memref<64x256xf32, #tpu.memory_space<hbm>>
    %dma_wait3A_180 = arith.constant 192 : i32
    %dma_wait3A_181 = arith.constant 0 : i32
    %dma_wait3A_182 = tpu.memref_slice %arg11[%dma_wait3A_180, %dma_wait3A_181] : memref<256x256xf32, #tpu.memory_space<vmem>> -> memref<64x256xf32, #tpu.memory_space<vmem>>
    tpu.wait_dma2 semaphore(%arg13 : memref<!tpu.dma_semaphore, #tpu.memory_space<semaphore_mem>>) src(%dma_wait3A_182 : memref<64x256xf32, #tpu.memory_space<vmem>>) dst(%dma_wait3A_179 : memref<64x256xf32, #tpu.memory_space<hbm>>)
    return
  }
}

</mosaic_0001>

<sc_bundles>
// kernel: _encode.3.cloned.1.call-start
scs
__scs_entry_jumppad:
0x0: {  	(pc) =	sbr.rel $0x88, $3  }
0x1: {  	(tag) =	ssettag $0x0;
	lr =	simm.s32 $0x1  }
0x2: {  	[smem:$0x3F9E] =	sst lr;
	_ =	strace $0xD0000000  }
0x3: {  	_ = 	snop  }
0x4: {  	_ = 	snop  }
0x5: {  	_ = 	snop  }
0x6: {  	_ = 	snop  }
0x7: {  	_ = 	snop  }
__scs_overlays_trampoline_lowered:
0x8: {  	[smem:$0x3FAD] =	sst s0  }
0x9: {  	[smem:$0x3FAE] =	sst s1  }
0xa: {  	[smem:$0x3FAF] =	sst s2  }
0xb: {  	[smem:$0x3FB0] =	sst s3  }
0xc: {  	[smem:$0x3FB1] =	sst s4  }
0xd: {  	[smem:$0x3FB2] =	sst s5  }
0xe: {  	[smem:$0x3FB3] =	sst s6  }
0xf: {  	[smem:$0x3FB4] =	sst s7  }
0x10: {  	[smem:$0x3FB5] =	sst s8  }
0x11: {  	[smem:$0x3FB6] =	sst s9;
	s0 =	simm.s32 @!p0 $0x0  }
0x12: {  	s1 =	sld [smem:$0x3F9C];
	s0 =	simm.s32 @p0 $0x1  }
0x13: {  	[smem:$0x3FB7] =	sst s0;
	s0 =	simm.s32 @!p1 $0x0  }
0x14: {  	s2 =	sld [smem:$0x3F9B];
	s0 =	simm.s32 @p1 $0x1  }
0x15: {  	[smem:$0x3FB8] =	sst s0;
	s0 =	simm.s32 @!p2 $0x0  }
0x16: {  	s3 =	sld [smem:$0x3FDB];
	s0 =	simm.s32 @p2 $0x1  }
0x17: {  	s4 =	simm.s32 $0x1BF5;
	[smem:$0x3FBA] =	sst s0  }
0x18: {  	s0 =	sld [smem:$0x3F9D];
	_ =	swait.ge [sflag:s4], $0x0  }
0x19: {  	s7 =	sld [smem:$0x3F9E]  }
0x1a: {  	s8 =	sadd.s32 $0xFFFFE003, lr  }
0x1b: {  	s9 =	sadd.s32 $0xFFFFFEF7, lr;
	s5 =	simm.s32 $0xFFFFFFFF;
	p2 =	slt.u32 s8, $0xFFFFF086  }
0x1c: {  	p1 =	slt.u32 s9, $0xF7A;
	s5 =	simm.s32 @!p2 $0x0  }
0x1d: {  	s5 =	simm.s32 @p1 $0x1;
	p0 =	seq.s32 s7, s2  }
0x1e: {  	s7 =	smul.u32 @!p0 $0xF7A, s2;
	p2 =	seq.s32 @!p0 s5, $0x0  }
0x1f: {  	s9 =	smul.u32 $0xF7A, s1;
	s8 =	simm.s32 @!p0 $0x1BF5;
	p2 =	por !p2, p0  }
0x20: {  	[sflag:s8] =	ssyncset.s32 @!p0 $0xFFFFF086;
	s6 =	sadd.s32 @!p0 s3, s7;
	s7 =	simm.s32 @!p0 $0x108  }
0x21: {  	s3 =	sadd.s32 s3, s9;
	s6 =	sadd.s32 @!p0 $0x88, s6;
	s7 =	simm.s32 @p2 $0x1082  }
0x22: {  	[simem:s7], [sflag:s8] =	dma.local @!p0 [hbm:s6], $0xF7A  }
0x23: {  	s9 =	sor.u32 $0xD0000000, s2;
	s6 =	simm.s32 $0x108;
	_ =	swait.ge @!p0 [sflag:s8], $0x0  }
0x24: {  	s3 =	sadd.s32 $0x88, s3;
	s6 =	simm.s32 @!p1 $0x1082;
	[sflag:s4] =	ssyncset.s32 $0xFFFFF086  }
0x25: {  	[simem:s6], [sflag:s4] =	dma.local [hbm:s3], $0xF7A  }
0x26: {  	[smem:$0x3F9E] =	sst s1;
	(tag) =	ssettag s2;
	_ =	strace s9  }
0x27: {  	s1 =	sld [smem:$0x3FAE]  }
0x28: {  	s2 =	sld [smem:$0x3FAF]  }
0x29: {  	s4 =	sld [smem:$0x3FB1]  }
0x2a: {  	p0 =	seq.s32 s5, $0x0;
	s5 =	sld [smem:$0x3FB2]  }
0x2b: {  	s6 =	sld [smem:$0x3FB3]  }
0x2c: {  	s7 =	sld [smem:$0x3FB4]  }
0x2d: {  	s3 =	simm.s32 $0x108;
	s8 =	sld [smem:$0x3FB5]  }
0x2e: {  	s3 =	simm.s32 @!p0 $0x1082;
	s9 =	sld [smem:$0x3FB6]  }
0x2f: {  	lr =	sadd.s32 s0, s3;
	s0 =	sld [smem:$0x3FAD]  }
0x30: {  	s3 =	sld [smem:$0x3FB0]  }
0x31: {  	[smem:$0x3FB9] =	sst s10  }
0x32: {  	s10 =	sld [smem:$0x3FB7];
	_ =	sdelay $0x3  }
0x33: {  	p0 =	seq.s32 s10, $0x1;
	s10 =	sld [smem:$0x3FB9];
	_ =	sdelay $0x3  }
0x34: {  	[smem:$0x3FB9] =	sst s10  }
0x35: {  	s10 =	sld [smem:$0x3FB8];
	_ =	sdelay $0x3  }
0x36: {  	p1 =	seq.s32 s10, $0x1;
	s10 =	sld [smem:$0x3FB9];
	_ =	sdelay $0x3  }
0x37: {  	[smem:$0x3FB9] =	sst s10  }
0x38: {  	s10 =	sld [smem:$0x3FBA]  }
0x39: {  	_ = 	snop;
	(pc) =	sbr.ind lr, $3  }
0x3a: {  	_ = 	snop  }
0x3b: {  	_ = 	snop  }
0x3c: {  	p2 =	seq.s32 s10, $0x1;
	s10 =	sld [smem:$0x3FB9]  }
0x3d: {  	_ =	shalt  }
0x3e: {  	_ =	shalt  }
0x3f: {  	_ =	shalt  }
0x40: {  	_ =	shalt  }
0x41: {  	_ =	shalt  }
0x42: {  	_ =	shalt  }
0x43: {  	_ =	shalt  }
0x44: {  	_ =	shalt  }
0x45: {  	_ =	shalt  }
0x46: {  	_ =	shalt  }
0x47: {  	_ =	shalt  }
0x48: {  	_ =	shalt  }
0x49: {  	_ =	shalt  }
0x4a: {  	_ =	shalt  }
0x4b: {  	_ =	shalt  }
0x4c: {  	_ =	shalt  }
0x4d: {  	_ =	shalt  }
0x4e: {  	_ =	shalt  }
0x4f: {  	_ =	shalt  }
0x50: {  	_ =	shalt  }
0x51: {  	_ =	shalt  }
0x52: {  	_ =	shalt  }
0x53: {  	_ =	shalt  }
0x54: {  	_ =	shalt  }
0x55: {  	_ =	shalt  }
0x56: {  	_ =	shalt  }
0x57: {  	_ =	shalt  }
0x58: {  	_ =	shalt  }
0x59: {  	_ =	shalt  }
0x5a: {  	_ =	shalt  }
0x5b: {  	_ =	shalt  }
0x5c: {  	_ =	shalt  }
0x5d: {  	_ =	shalt  }
0x5e: {  	_ =	shalt  }
0x5f: {  	_ =	shalt  }
0x60: {  	_ =	shalt  }
0x61: {  	_ =	shalt  }
0x62: {  	_ =	shalt  }
0x63: {  	_ =	shalt  }
0x64: {  	_ =	shalt  }
0x65: {  	_ =	shalt  }
0x66: {  	_ =	shalt  }
0x67: {  	_ =	shalt  }
0x68: {  	_ =	shalt  }
0x69: {  	_ =	shalt  }
0x6a: {  	_ =	shalt  }
0x6b: {  	_ =	shalt  }
0x6c: {  	_ =	shalt  }
0x6d: {  	_ =	shalt  }
0x6e: {  	_ =	shalt  }
0x6f: {  	_ =	shalt  }
0x70: {  	_ =	shalt  }
0x71: {  	_ =	shalt  }
0x72: {  	_ =	shalt  }
0x73: {  	_ =	shalt  }
0x74: {  	_ =	shalt  }
0x75: {  	_ =	shalt  }
0x76: {  	_ =	shalt  }
0x77: {  	_ =	shalt  }
0x78: {  	_ =	shalt  }
0x79: {  	_ =	shalt  }
0x7a: {  	_ =	shalt  }
0x7b: {  	_ =	shalt  }
0x7c: {  	_ =	shalt  }
0x7d: {  	_ =	shalt  }
0x7e: {  	_ =	shalt  }
0x7f: {  	_ =	shalt  }
0x80: {  	_ =	shalt  }
0x81: {  	_ =	shalt  }
0x82: {  	_ =	shalt  }
0x83: {  	_ =	shalt  }
0x84: {  	_ =	shalt  }
0x85: {  	_ =	shalt  }
0x86: {  	_ =	shalt  }
0x87: {  	_ =	shalt  }
.Lfunc_end0:
.L_simem_size_0:
called_computation_lowered:
.L_overlay_start_0:
0x88: {  	s2 =	sld [smem:$0x3FD9]  }
0x89: {  	s3 =	sld [smem:$0x3FFE];
	_ =	sdelay $0x1  }
0x8a: {  	s1 =	srdreg.scid  }
0x8b: {  	s0 =	sand.u32 $0x1, s1  }
0x8c: {  	s17 =	sshll.u32 s0, $0xA;
	s2 =	sadd.s32 s3, s2  }
0x8d: {  	s2 =	sadd.s32 s2, s17  }
0x8e: {  	[smem:$0x3FC5] =	sst s2  }
0x8f: {  	_ = 	snop  }
0x90: {  	s2 =	sld [smem:$0x3FC7]  }
0x91: {  	s18 =	sld [smem:$0x3FD0];
	(tm) =	ssettm $0x1  }
0x92: {  	s4 =	sld [smem:$0x3FFB];
	_ =	sdelay $0x3  }
0x93: {  	_ =	strace s4  }
0x94: {  	s4 =	sld [smem:$0x3FFC];
	_ =	sdelay $0x3  }
0x95: {  	_ =	strace s4  }
0x96: {  	s4 =	sld [smem:$0x3FFD];
	_ =	sdelay $0x3  }
0x97: {  	_ =	strace s4  }
0x98: {  	_ =	strace $0x8FFFFFFF  }
0x99: {  	s19 =	sld [smem:$0x3FDB];
	_ =	sdelay $0x1  }
0x9a: {  	s5 =	simm.s32 $_scs_section_size  }
0x9b: {  	s6 =	simm.s32 $_size__tile_overlayer_lowered;
	s7 =	simm.s32 $_tile_overlayer_lowered  }
0x9c: {  	s22 =	simm.s32 $0x1BFF;
	s21 =	sshll.u32 s7, $0x1;
	s4 =	sadd.s32 s5, s19  }
0x9d: {  	s8 =	simm.s32 $0x0;
	s20 =	sshll.u32 s6, $0x1;
	s6 =	sadd.s32 s21, s4  }
0x9e: {  	[timem:s8], [sflag:s22] =	dma.local [hbm:s6], s20  }
0x9f: {  	_ =	swait.ge [sflag:s22], s20  }
0xa0: {  	s5 =	ssub.s32 $0x0, s20;
	[sflag:s22] =	ssyncset.done $0x0  }
0xa1: {  	[sflag:s22] =	ssyncadd.s32 s5;
	_ =	sdelay $0x1  }
0xa2: {  	s23 =	simm.s32 $0x1B8B  }
0xa3: {  	_ =	swait.ge [sflag:s23], $0x1  }
0xa4: {  	[sflag:s23] =	ssyncset.done $0x0  }
0xa5: {  	s25 =	simm.s32 $0x1B8E;
	s24 =	sld [smem:$0x3FFE];
	[sflag:s23] =	ssyncadd.s32 $0xFFFFFFFF  }
0xa6: {  	s26 =	simm.s32 $execute0_lowered;
	[smem:$0x3FD2] =	sst s25  }
0xa7: {  	s6 =	sshll.u32 s26, $0x1;
	_ =	strace $0x80000046;
	[dreg:$0x1] =	wrdreg $0xFFFFFFFF  }
0xa8: {  	s28 =	simm.s32 $_size_execute0_lowered;
	s4 =	sadd.s32 s4, s6;
	[dreg:$0x0] =	wrdreg $0x0  }
0xa9: {  	s6 =	sshll.u32 s28, $0x1;
	[dreg:$0x2] =	wrdreg s4  }
0xaa: {  	[dreg:$0x3] =	wrdreg s6  }
0xab: {  	[dreg:$0x4] =	wrdreg $0xC0  }
0xac: {  	_ =	task [dreg:s8], $0x5FFFF  }
0xad: {  	[dreg:$0x1] =	wrdreg $0xFFFFFFFF  }
0xae: {  	[dreg:$0x0] =	wrdreg $0x60  }
0xaf: {  	[dreg:$0x2] =	wrdreg s24  }
0xb0: {  	[dreg:$0x3] =	wrdreg s2  }
0xb1: {  	[dreg:$0x4] =	wrdreg s18  }
0xb2: {  	[dreg:$0x5] =	wrdreg $0x9  }
0xb3: {  	_ =	task.clear_ibuf [dreg:s8], $0x6FFFF;
	_ =	strace $0x90000046  }
0xb4: {  	s29 =	simm.s32 $0x9;
	_ =	strace $0x80000048  }
0xb5: {  	_ =	swait.ge [sflag:s29], $0x1  }
0xb6: {  	[sflag:s29] =	ssyncadd.s32 $0xFFFFFFFF  }
0xb7: {  	_ =	strace $0x90000048  }
0xb8: {  	_ =	sfence  }
0xb9: {  	s30 =	sld [smem:$0x0];
	_ =	sdelay $0x2  }
0xba: {  	s31 =	sshll.u32 s1, $0xD;
	s1 =	sshrl.u32 s1, $0x2  }
0xbb: {  	s3 =	sand.u32 $0x4000, s31;
	s1 =	sadd.s32 s1, s30  }
0xbc: {  	s0 =	sor.u32 s3, s0;
	s1 =	sshll.u32 s1, $0x11  }
0xbd: {  	s0 =	sor.u32 s1, s0  }
0xbe: {  	s0 =	sadd.s32 $0x8F2B, s0  }
0xbf: {  	[sflag:s0] =	ssyncadd.remote.s32 $0x1  }
0xc0: {  	_ =	sfence.sel $0xFFFF  }
0xc1: {  	[dreg:$0x0] =	wrdreg $0xFFFFFFFF;
	(pc) =	sbr.abs _section_cstart, $3  }
0xc2: {  	[dreg:$0x1] =	wrdreg $0xFFFFFFFF  }
0xc3: {  	_ =	task.clear_ibuf [dreg:s8], $0x2FFFF;
	_ =	strace $0x9FFFFFFF  }
0xc4: {  	(tm) =	ssettm $0x7FFFFFFF  }
0xc5: {  	_ =	shalt  }
tec
execute0_lowered:
.L_overlay_start_1:
0x0: {  	(tag) =	ssettag $0x1  }
0x1: {  	s1 =	rddreg [dreg:$0x0]  }
0x2: {  	s3 =	rddreg [dreg:$0x1];
	s0 =	srdreg.scid  }
0x3: {  	s4 =	stileid.u32;
	s2 =	rddreg [dreg:$0x2]  }
0x4: {  	s12 =	simm.s32 $0x200;
	s13 =	simm.s32 $0x280;
	s14 =	simm.s32 $0x3  }
0x5: {  	s15 =	simm.s32 $0x400;
	s23 =	simm.s32 $0x4400;
	s22 =	simm.s32 $0xC400  }
0x6: {  	s24 =	simm.s32 $0xCC00;
	s25 =	simm.s32 $0xD400;
	s26 =	simm.s32 $0xDC00  }
0x7: {  	s28 =	simm.s32 $0xE400;
	s29 =	simm.s32 $0xEC00;
	s30 =	simm.s32 $0xF400  }
0x8: {  	s31 =	simm.s32 $0xFC00;
	s16 =	simm.s32 $0x2;
	s17 =	simm.s32 $0x0  }
0x9: {  	s0 =	sand.u32 $0x1, s0;
	s5 =	sshll.u32 s4, $0x1;
	s4 =	simm.s32 $0x0  }
0xa: {  	s6 =	sor.u32 s0, s5;
	[smem:$0x7FF] =	sst s4;
	s0 =	ssub.s32 $0x2, s0  }
0xb: {  	s5 =	sshll.u32 s6, $0x6;
	_ =	strace $0x80000047;
	s8 =	sshrl.u32 s0, $0x1  }
0xc: {  	s9 =	sshll.u32 s6, $0xD;
	s7 =	sadd.s32 s5, s1;
	s5 =	sadd.s32 $0x200, s1  }
0xd: {  	v4 =	vlaneseq.u32;
	v1 =	vimm.s32 $0x0;
	s0 =	ssub.s32 s0, s8;
	s6 =	sadd.s32 $0x400, s7;
	s7 =	sadd.s32 s2, s9  }
0xe: {  	vm0 =	vmmov $0xffff;
	v0 =	vmul.u32 $0x2, v4;
	v3 =	vshrl.u32 v4, $0x3;
	s11 =	smax.u32 s0, $0x1;
	s2 =	simm.s32 $0x8400;
	s0 =	simm.s32 $0x1  }
0xf: {  	v2 =	vand.u32 $0x7, v4;
	v4 =	vor.u32 $0x8, v4;
	v3 =	vmul.u32 $0x8, v3;
	s8 =	sadd.s32 $0x800, s7;
	s9 =	sadd.s32 $0x1000, s7;
	s10 =	sadd.s32 $0x1800, s7  }
.LBB2_1:
0x10: {  	[tilespmem:s4], [sflag:$0x3] =	stream.linear.gather [hbm4b:s6+s4], $0x200, $0x38;
	[tilespmem:$0x10400] =	vst v63  }
0x11: {  	_ = 	snop  }
0x12: {  	[tilespmem:s12], [sflag:$0x3] =	stream.linear.gather [hbm4b:s5+s4], $0x80, $0x38;
	[tilespmem:$0x10400] =	vst v63  }
0x13: {  	_ = 	snop  }
0x14: {  	[tilespmem:s13], [sflag:$0x3] =	stream.linear.gather [hbm4b:s1+s4], $0x80, $0x38;
	[tilespmem:$0x10400] =	vst v63  }
0x15: {  	_ =	swait.ge [sflag:s14], $0x200  }
0x16: {  	v5 =	vmov s4;
	[sflag:s14] =	ssyncset.done $0x0  }
0x17: {  	v5 =	vshll.u32 v5, $0x1;
	[sflag:s14] =	ssyncadd.s32 $0xFFFFFE00  }
0x18: {  	v5 =	vor.u32 v0, v5;
	_ =	swait.ge [sflag:s14], $0x80  }
0x19: {  	v6 =	vor.u32 $0x1, v5;
	[sflag:s14] =	ssyncset.done $0x0  }
0x1a: {  	[sflag:s14] =	ssyncadd.s32 $0xFFFFFF80  }
0x1b: {  	_ =	swait.ge [sflag:s14], $0x80  }
0x1c: {  	[sflag:s14] =	ssyncset.done $0x0  }
0x1d: {  	[sflag:s14] =	ssyncadd.s32 $0xFFFFFF80  }
0x1e: {  	v6 =	vld.idx.msk [tilespmem:v6+s4+$0x0], $0xffff;
	_ =	sdelay $0x1  }
0x1f: {  	v5 =	vld.idx.msk [tilespmem:v5+s4+$0x0], $0xffff;
	_ =	sdelay $0x2  }
0x20: {  	v7 =	vadd.f32 $-5.558000180e+01, v6;
	_ =	sdelay $0x1  }
0x21: {  	v8 =	vadd.f32 $-3.734999850e+01, v5;
	v7 =	vmul.f32 $2.000000000e+02, v7;
	_ =	sdelay $0x1  }
0x22: {  	v8 =	vmul.f32 $2.000000000e+02, v8;
	v7 =	vtrunc.f32 v7  }
0x23: {  	v7 =	vcvt.f32.s32 v7  }
0x24: {  	v8 =	vtrunc.f32 v8  }
0x25: {  	v8 =	vcvt.f32.s32 v8;
	vm1 =	vgt.s32 v7, $0x0  }
0x26: {  	v7 =	vnsel vm1, $0x0, v7  }
0x27: {  	vm1 =	vgt.s32 v8, $0x0;
	v7 =	vmin.u32 v7, $0x43  }
0x28: {  	v8 =	vnsel vm1, $0x0, v8;
	v9 =	vadd.s32 $0x1, v7  }
0x29: {  	v8 =	vmin.u32 v8, $0x63;
	_ =	sdelay $0x1  }
0x2a: {  	v10 =	vadd.s32 $0x1, v8  }
0x2b: {  	v11 =	vld.idx.msk [tilespmem:v7+s13+$0x0], $0xffff  }
0x2c: {  	v9 =	vld.idx.msk [tilespmem:v9+s13+$0x0], $0xffff  }
0x2d: {  	v12 =	vld.idx.msk [tilespmem:v8+s12+$0x0], $0xffff;
	_ =	sdelay $0x1  }
0x2e: {  	v10 =	vld.idx.msk [tilespmem:v10+s12+$0x0], $0xffff;
	_ =	sdelay $0x1  }
0x2f: {  	v11 =	vsub.f32 v6, v11  }
0x30: {  	v6 =	vsub.f32 v6, v9;
	v9 =	vsub.f32 v5, v12  }
0x31: {  	v11 =	vmul.f32 v11, v11  }
0x32: {  	v5 =	vsub.f32 v5, v10;
	v6 =	vmul.f32 v6, v6;
	v9 =	vmul.f32 v9, v9;
	_ =	sdelay $0x1  }
0x33: {  	v5 =	vmul.f32 v5, v5;
	v10 =	vadd.f32 v11, v9;
	v9 =	vadd.f32 v6, v9;
	_ =	sdelay $0x1  }
0x34: {  	s18 =	simm.s32 $0x10;
	v8 =	vmul.u32 $0x45, v8;
	v11 =	vadd.f32 v11, v5;
	vm1 =	vlt.f32 v9, v10  }
0x35: {  	v5 =	vadd.f32 v6, v5;
	v6 =	vmov s18;
	v9 =	vsel vm1, v9, v10  }
0x36: {  	v6 =	vshll.u32 v6, $0x1;
	v10 =	vsel vm1, $0x1, v1;
	vm2 =	vlt.f32 v11, v9  }
0x37: {  	v6 =	vor.u32 v0, v6;
	v9 =	vsel vm2, v11, v9;
	v10 =	vsel vm2, $0x45, v10  }
0x38: {  	vm1 =	vlt.f32 v5, v9;
	v5 =	vadd.s32 v7, v8;
	v7 =	vor.u32 $0x1, v6  }
0x39: {  	s19 =	simm.s32 $0x20;
	s20 =	simm.s32 $0x300;
	s18 =	simm.s32 $0x300;
	v8 =	vsel vm1, $0x46, v10  }
.LBB2_2:
0x3a: {  	p0 =	sne.s32 s19, $0x30  }
0x3b: {  	v5 =	vadd.s32 v8, v5;
	s18 =	sadd.s32 $0x10, s18;
	s21 =	smov.u32 s19;
	s19 =	sadd.s32 $0x10, s19  }
0x3c: {  	[tilespmem:s20+$0x0] =	vst v5;
	s20 =	smov.u32 s18  }
0x3d: {  	v7 =	vld.idx.msk [tilespmem:v7+s4+$0x0], $0xffff  }
0x3e: {  	v6 =	vld.idx.msk [tilespmem:v6+s4+$0x0], $0xffff;
	_ =	sdelay $0x4  }
0x3f: {  	v5 =	vadd.f32 $-5.558000180e+01, v7  }
0x40: {  	v8 =	vadd.f32 $-3.734999850e+01, v6  }
0x41: {  	v5 =	vmul.f32 $2.000000000e+02, v5  }
0x42: {  	v8 =	vmul.f32 $2.000000000e+02, v8  }
0x43: {  	v5 =	vtrunc.f32 v5  }
0x44: {  	v8 =	vtrunc.f32 v8;
	v5 =	vcvt.f32.s32 v5  }
0x45: {  	v8 =	vcvt.f32.s32 v8  }
0x46: {  	vm1 =	vgt.s32 v5, $0x0  }
0x47: {  	vm2 =	vgt.s32 v8, $0x0;
	v5 =	vnsel vm1, $0x0, v5  }
0x48: {  	v8 =	vnsel vm2, $0x0, v8;
	v9 =	vmin.u32 v5, $0x43  }
0x49: {  	v8 =	vmin.u32 v8, $0x63;
	v10 =	vadd.s32 $0x1, v9  }
0x4a: {  	v11 =	vadd.s32 $0x1, v8;
	v5 =	vmul.u32 $0x45, v8;
	_ =	sdelay $0x1  }
0x4b: {  	v5 =	vadd.s32 v9, v5  }
0x4c: {  	v9 =	vld.idx.msk [tilespmem:v9+s13+$0x0], $0xffff  }
0x4d: {  	v10 =	vld.idx.msk [tilespmem:v10+s13+$0x0], $0xffff  }
0x4e: {  	v8 =	vld.idx.msk [tilespmem:v8+s12+$0x0], $0xffff  }
0x4f: {  	v11 =	vld.idx.msk [tilespmem:v11+s12+$0x0], $0xffff;
	_ =	sdelay $0x2  }
0x50: {  	v9 =	vsub.f32 v7, v9  }
0x51: {  	v7 =	vsub.f32 v7, v10  }
0x52: {  	v8 =	vsub.f32 v6, v8  }
0x53: {  	v9 =	vmul.f32 v9, v9;
	v6 =	vsub.f32 v6, v11;
	v7 =	vmul.f32 v7, v7  }
0x54: {  	v8 =	vmul.f32 v8, v8  }
0x55: {  	v6 =	vmul.f32 v6, v6  }
0x56: {  	v10 =	vadd.f32 v9, v8;
	v8 =	vadd.f32 v7, v8  }
0x57: {  	v9 =	vadd.f32 v9, v6;
	v11 =	vadd.f32 v7, v6  }
0x58: {  	v6 =	vmov s21;
	vm1 =	vlt.f32 v8, v10  }
.Ltmp0:
0x59: {  	v6 =	vshll.u32 v6, $0x1;
	v8 =	vsel vm1, v8, v10;
	(pc) =	sbr.rel @p0 .LBB2_2-.Ltmp0, $4  }
0x5a: {  	v6 =	vor.u32 v0, v6;
	v10 =	vsel vm1, $0x1, v1;
	vm1 =	vlt.f32 v9, v8  }
0x5b: {  	v7 =	vor.u32 $0x1, v6;
	v8 =	vsel vm1, v9, v8;
	v9 =	vsel vm1, $0x45, v10  }
0x5c: {  	vm1 =	vlt.f32 v11, v8  }
0x5d: {  	v8 =	vsel vm1, $0x46, v9  }
0x5e: {  	_ =	sdelay $0x1  }
0x5f: {  	v5 =	vadd.s32 v8, v5  }
0x60: {  	[tilespmem:s20+$0x0] =	vst v5  }
0x61: {  	v5 =	vld.idx.msk [tilespmem:v7+s4+$0x0], $0xffff;
	_ =	sdelay $0x1  }
0x62: {  	v6 =	vld.idx.msk [tilespmem:v6+s4+$0x0], $0xffff;
	_ =	sdelay $0x2  }
0x63: {  	v7 =	vadd.f32 $-5.558000180e+01, v5;
	_ =	sdelay $0x1  }
0x64: {  	v8 =	vadd.f32 $-3.734999850e+01, v6;
	v7 =	vmul.f32 $2.000000000e+02, v7;
	_ =	sdelay $0x1  }
0x65: {  	v8 =	vmul.f32 $2.000000000e+02, v8;
	v7 =	vtrunc.f32 v7  }
0x66: {  	v7 =	vcvt.f32.s32 v7  }
0x67: {  	v8 =	vtrunc.f32 v8  }
0x68: {  	v8 =	vcvt.f32.s32 v8;
	vm1 =	vgt.s32 v7, $0x0  }
0x69: {  	v7 =	vnsel vm1, $0x0, v7  }
0x6a: {  	vm1 =	vgt.s32 v8, $0x0;
	v7 =	vmin.u32 v7, $0x43  }
0x6b: {  	v8 =	vnsel vm1, $0x0, v8;
	v9 =	vadd.s32 $0x1, v7  }
0x6c: {  	v8 =	vmin.u32 v8, $0x63;
	_ =	sdelay $0x1  }
0x6d: {  	v10 =	vadd.s32 $0x1, v8  }
0x6e: {  	v11 =	vld.idx.msk [tilespmem:v7+s13+$0x0], $0xffff  }
0x6f: {  	v9 =	vld.idx.msk [tilespmem:v9+s13+$0x0], $0xffff  }
0x70: {  	v12 =	vld.idx.msk [tilespmem:v8+s12+$0x0], $0xffff;
	_ =	sdelay $0x1  }
0x71: {  	v10 =	vld.idx.msk [tilespmem:v10+s12+$0x0], $0xffff;
	_ =	sdelay $0x1  }
0x72: {  	v11 =	vsub.f32 v5, v11  }
0x73: {  	v5 =	vsub.f32 v5, v9;
	v9 =	vsub.f32 v6, v12  }
0x74: {  	v11 =	vmul.f32 v11, v11  }
0x75: {  	v6 =	vsub.f32 v6, v10;
	v5 =	vmul.f32 v5, v5;
	v9 =	vmul.f32 v9, v9;
	_ =	sdelay $0x1  }
0x76: {  	v6 =	vmul.f32 v6, v6;
	v10 =	vadd.f32 v11, v9;
	v9 =	vadd.f32 v5, v9;
	_ =	sdelay $0x1  }
0x77: {  	v11 =	vadd.f32 v11, v6;
	vm1 =	vlt.f32 v9, v10  }
0x78: {  	v9 =	vsel vm1, v9, v10  }
0x79: {  	v5 =	vadd.f32 v5, v6;
	vm2 =	vlt.f32 v11, v9  }
0x7a: {  	v6 =	vmul.u32 $0x45, v8;
	v8 =	vsel vm1, $0x1, v1;
	v9 =	vsel vm2, v11, v9  }
0x7b: {  	v8 =	vsel vm2, $0x45, v8;
	vm1 =	vlt.f32 v5, v9  }
0x7c: {  	v5 =	vadd.s32 v7, v6;
	v6 =	vsel vm1, $0x46, v8  }
0x7d: {  	s18 =	sadd.s32 $0x10, s18;
	v5 =	vadd.s32 v6, v5  }
0x7e: {  	[tilespmem:s18+$0x0] =	vst v5  }
0x7f: {  	v5 =	vld [tilespmem:$0x300];
	_ =	sdelay $0x4  }
0x80: {  	v6 =	vshll.u32 v5, $0x1  }
0x81: {  	v5 =	vand.u32 $0x7, v5;
	v6 =	vand.u32 $0xFFFFFFF0, v6  }
0x82: {  	v5 =	vor.u32 v5, v6  }
0x83: {  	v6 =	vperm.xlane v5, v2;
	_ =	sdelay $0x1  }
0x84: {  	v5 =	vperm.xlane v5, v4;
	v6 =	vadd.s32 v3, v6;
	_ =	sdelay $0x1  }
0x85: {  	v5 =	vadd.s32 v3, v5;
	_ =	sdelay $0x2  }
0x86: {  	[tilespmem:s15], [sflag:$0x1] =	stream.indirect_vreg.gather [hbm4b:s3+s4], $0x80, v6, vm0, $0xb8;
	[tilespmem:$0x10400] =	vst v63  }
0x87: {  	s19 =	simm.s32 $0xC00  }
0x88: {  	[tilespmem:s19], [sflag:$0x1] =	stream.indirect_vreg.gather [hbm4b:s3+s4], $0x80, v5, vm0, $0xb8;
	[tilespmem:$0x10400] =	vst v63  }
0x89: {  	v5 =	vld [tilespmem:$0x310];
	_ =	sdelay $0x4  }
0x8a: {  	v6 =	vshll.u32 v5, $0x1  }
0x8b: {  	v5 =	vand.u32 $0x7, v5;
	v6 =	vand.u32 $0xFFFFFFF0, v6  }
0x8c: {  	v5 =	vor.u32 v5, v6  }
0x8d: {  	v6 =	vperm.xlane v5, v2;
	_ =	sdelay $0x1  }
0x8e: {  	v5 =	vperm.xlane v5, v4;
	v6 =	vadd.s32 v3, v6;
	_ =	sdelay $0x1  }
0x8f: {  	v5 =	vadd.s32 v3, v5;
	_ =	sdelay $0x1  }
0x90: {  	s20 =	simm.s32 $0x1400  }
0x91: {  	[tilespmem:s20], [sflag:$0x1] =	stream.indirect_vreg.gather [hbm4b:s3+s4], $0x80, v6, vm0, $0xb8;
	[tilespmem:$0x10400] =	vst v63  }
0x92: {  	s21 =	simm.s32 $0x1C00  }
0x93: {  	[tilespmem:s21], [sflag:$0x1] =	stream.indirect_vreg.gather [hbm4b:s3+s4], $0x80, v5, vm0, $0xb8;
	[tilespmem:$0x10400] =	vst v63  }
0x94: {  	v5 =	vld [tilespmem:$0x320];
	_ =	sdelay $0x4  }
0x95: {  	v6 =	vshll.u32 v5, $0x1  }
0x96: {  	v5 =	vand.u32 $0x7, v5;
	v6 =	vand.u32 $0xFFFFFFF0, v6  }
0x97: {  	v5 =	vor.u32 v5, v6  }
0x98: {  	v6 =	vperm.xlane v5, v2;
	_ =	sdelay $0x1  }
0x99: {  	v5 =	vperm.xlane v5, v4;
	v6 =	vadd.s32 v3, v6;
	_ =	sdelay $0x1  }
0x9a: {  	v5 =	vadd.s32 v3, v5;
	_ =	sdelay $0x1  }
0x9b: {  	s19 =	simm.s32 $0x2400  }
0x9c: {  	[tilespmem:s19], [sflag:$0x1] =	stream.indirect_vreg.gather [hbm4b:s3+s4], $0x80, v6, vm0, $0xb8;
	[tilespmem:$0x10400] =	vst v63  }
0x9d: {  	s20 =	simm.s32 $0x2C00  }
0x9e: {  	[tilespmem:s20], [sflag:$0x1] =	stream.indirect_vreg.gather [hbm4b:s3+s4], $0x80, v5, vm0, $0xb8;
	[tilespmem:$0x10400] =	vst v63  }
0x9f: {  	v5 =	vld [tilespmem:$0x330];
	_ =	sdelay $0x4  }
0xa0: {  	v6 =	vshll.u32 v5, $0x1  }
0xa1: {  	v5 =	vand.u32 $0x7, v5;
	v6 =	vand.u32 $0xFFFFFFF0, v6  }
0xa2: {  	v5 =	vor.u32 v5, v6  }
0xa3: {  	v6 =	vperm.xlane v5, v2  }
0xa4: {  	s21 =	simm.s32 $0x40  }
0xa5: {  	v7 =	vmov s21;
	v5 =	vperm.xlane v5, v4;
	v6 =	vadd.s32 v3, v6  }
0xa6: {  	v7 =	vshll.u32 v7, $0x1  }
0xa7: {  	v7 =	vor.u32 v0, v7;
	v5 =	vadd.s32 v3, v5  }
0xa8: {  	v8 =	vor.u32 $0x1, v7  }
0xa9: {  	s19 =	simm.s32 $0x3400  }
0xaa: {  	[tilespmem:s19], [sflag:$0x1] =	stream.indirect_vreg.gather [hbm4b:s3+s4], $0x80, v6, vm0, $0xb8;
	[tilespmem:$0x10400] =	vst v63  }
0xab: {  	s20 =	simm.s32 $0x3C00  }
0xac: {  	[tilespmem:s20], [sflag:$0x1] =	stream.indirect_vreg.gather [hbm4b:s3+s4], $0x80, v5, vm0, $0xb8;
	[tilespmem:$0x10400] =	vst v63  }
0xad: {  	v5 =	vld.idx.msk [tilespmem:v8+s4+$0x0], $0xffff;
	_ =	sdelay $0x1  }
0xae: {  	v6 =	vld.idx.msk [tilespmem:v7+s4+$0x0], $0xffff;
	_ =	sdelay $0x2  }
0xaf: {  	v7 =	vadd.f32 $-5.558000180e+01, v5;
	_ =	sdelay $0x1  }
0xb0: {  	v8 =	vadd.f32 $-3.734999850e+01, v6;
	v7 =	vmul.f32 $2.000000000e+02, v7;
	_ =	sdelay $0x1  }
0xb1: {  	v8 =	vmul.f32 $2.000000000e+02, v8;
	v7 =	vtrunc.f32 v7  }
0xb2: {  	v7 =	vcvt.f32.s32 v7  }
0xb3: {  	v8 =	vtrunc.f32 v8  }
0xb4: {  	v8 =	vcvt.f32.s32 v8;
	vm1 =	vgt.s32 v7, $0x0  }
0xb5: {  	v7 =	vnsel vm1, $0x0, v7  }
0xb6: {  	vm1 =	vgt.s32 v8, $0x0;
	v7 =	vmin.u32 v7, $0x43  }
0xb7: {  	v8 =	vnsel vm1, $0x0, v8;
	v9 =	vadd.s32 $0x1, v7  }
0xb8: {  	v8 =	vmin.u32 v8, $0x63;
	_ =	sdelay $0x1  }
0xb9: {  	v10 =	vadd.s32 $0x1, v8  }
0xba: {  	v11 =	vld.idx.msk [tilespmem:v7+s13+$0x0], $0xffff  }
0xbb: {  	v9 =	vld.idx.msk [tilespmem:v9+s13+$0x0], $0xffff  }
0xbc: {  	v63 =	vld.idx.msk [tilespmem:v8+s12+$0x0], $0xffff;
	_ =	sdelay $0x1  }
0xbd: {  	v10 =	vld.idx.msk [tilespmem:v10+s12+$0x0], $0xffff;
	_ =	sdelay $0x1  }
0xbe: {  	v11 =	vsub.f32 v5, v11  }
0xbf: {  	v5 =	vsub.f32 v5, v9;
	v9 =	vsub.f32 v6, v63  }
0xc0: {  	v11 =	vmul.f32 v11, v11  }
0xc1: {  	v6 =	vsub.f32 v6, v10;
	v5 =	vmul.f32 v5, v5;
	v9 =	vmul.f32 v9, v9;
	_ =	sdelay $0x1  }
0xc2: {  	v6 =	vmul.f32 v6, v6;
	v10 =	vadd.f32 v11, v9;
	v9 =	vadd.f32 v5, v9;
	_ =	sdelay $0x1  }
0xc3: {  	s21 =	simm.s32 $0x50;
	v8 =	vmul.u32 $0x45, v8;
	v11 =	vadd.f32 v11, v6;
	vm1 =	vlt.f32 v9, v10  }
0xc4: {  	v5 =	vadd.f32 v5, v6;
	v6 =	vmov s21;
	v9 =	vsel vm1, v9, v10  }
0xc5: {  	v6 =	vshll.u32 v6, $0x1;
	v10 =	vsel vm1, $0x1, v1;
	vm2 =	vlt.f32 v11, v9  }
0xc6: {  	v6 =	vor.u32 v0, v6;
	v9 =	vsel vm2, v11, v9;
	v10 =	vsel vm2, $0x45, v10  }
0xc7: {  	vm1 =	vlt.f32 v5, v9;
	v5 =	vadd.s32 v7, v8;
	v7 =	vor.u32 $0x1, v6  }
0xc8: {  	s18 =	simm.s32 $0x340;
	s19 =	simm.s32 $0x60;
	s20 =	simm.s32 $0x340;
	v8 =	vsel vm1, $0x46, v10  }
.LBB2_4:
0xc9: {  	p0 =	sne.s32 s19, $0x70  }
0xca: {  	v5 =	vadd.s32 v8, v5;
	s18 =	sadd.s32 $0x10, s18;
	s21 =	smov.u32 s19;
	s19 =	sadd.s32 $0x10, s19  }
0xcb: {  	[tilespmem:s20+$0x0] =	vst v5;
	s20 =	smov.u32 s18  }
0xcc: {  	v7 =	vld.idx.msk [tilespmem:v7+s4+$0x0], $0xffff  }
0xcd: {  	v6 =	vld.idx.msk [tilespmem:v6+s4+$0x0], $0xffff;
	_ =	sdelay $0x4  }
0xce: {  	v5 =	vadd.f32 $-5.558000180e+01, v7  }
0xcf: {  	v8 =	vadd.f32 $-3.734999850e+01, v6  }
0xd0: {  	v5 =	vmul.f32 $2.000000000e+02, v5  }
0xd1: {  	v8 =	vmul.f32 $2.000000000e+02, v8  }
0xd2: {  	v5 =	vtrunc.f32 v5  }
0xd3: {  	v8 =	vtrunc.f32 v8;
	v5 =	vcvt.f32.s32 v5  }
0xd4: {  	v8 =	vcvt.f32.s32 v8  }
0xd5: {  	vm1 =	vgt.s32 v5, $0x0  }
0xd6: {  	vm2 =	vgt.s32 v8, $0x0;
	v5 =	vnsel vm1, $0x0, v5  }
0xd7: {  	v8 =	vnsel vm2, $0x0, v8;
	v9 =	vmin.u32 v5, $0x43  }
0xd8: {  	v8 =	vmin.u32 v8, $0x63;
	v10 =	vadd.s32 $0x1, v9  }
0xd9: {  	v11 =	vadd.s32 $0x1, v8;
	v5 =	vmul.u32 $0x45, v8;
	_ =	sdelay $0x1  }
0xda: {  	v5 =	vadd.s32 v9, v5  }
0xdb: {  	v9 =	vld.idx.msk [tilespmem:v9+s13+$0x0], $0xffff  }
0xdc: {  	v10 =	vld.idx.msk [tilespmem:v10+s13+$0x0], $0xffff  }
0xdd: {  	v8 =	vld.idx.msk [tilespmem:v8+s12+$0x0], $0xffff  }
0xde: {  	v11 =	vld.idx.msk [tilespmem:v11+s12+$0x0], $0xffff;
	_ =	sdelay $0x2  }
0xdf: {  	v9 =	vsub.f32 v7, v9  }
0xe0: {  	v7 =	vsub.f32 v7, v10  }
0xe1: {  	v8 =	vsub.f32 v6, v8  }
0xe2: {  	v9 =	vmul.f32 v9, v9;
	v6 =	vsub.f32 v6, v11;
	v7 =	vmul.f32 v7, v7  }
0xe3: {  	v8 =	vmul.f32 v8, v8  }
0xe4: {  	v6 =	vmul.f32 v6, v6  }
0xe5: {  	v10 =	vadd.f32 v9, v8;
	v8 =	vadd.f32 v7, v8  }
0xe6: {  	v9 =	vadd.f32 v9, v6;
	v11 =	vadd.f32 v7, v6  }
0xe7: {  	v6 =	vmov s21;
	vm1 =	vlt.f32 v8, v10  }
.Ltmp1:
0xe8: {  	v6 =	vshll.u32 v6, $0x1;
	v8 =	vsel vm1, v8, v10;
	(pc) =	sbr.rel @p0 .LBB2_4-.Ltmp1, $4  }
0xe9: {  	v6 =	vor.u32 v0, v6;
	v10 =	vsel vm1, $0x1, v1;
	vm1 =	vlt.f32 v9, v8  }
0xea: {  	v7 =	vor.u32 $0x1, v6;
	v8 =	vsel vm1, v9, v8;
	v9 =	vsel vm1, $0x45, v10  }
0xeb: {  	vm1 =	vlt.f32 v11, v8  }
0xec: {  	v8 =	vsel vm1, $0x46, v9  }
0xed: {  	_ =	sdelay $0x1  }
0xee: {  	v5 =	vadd.s32 v8, v5  }
0xef: {  	[tilespmem:s20+$0x0] =	vst v5  }
0xf0: {  	v5 =	vld.idx.msk [tilespmem:v7+s4+$0x0], $0xffff;
	_ =	sdelay $0x1  }
0xf1: {  	v6 =	vld.idx.msk [tilespmem:v6+s4+$0x0], $0xffff;
	_ =	sdelay $0x2  }
0xf2: {  	v7 =	vadd.f32 $-5.558000180e+01, v5;
	_ =	sdelay $0x1  }
0xf3: {  	v8 =	vadd.f32 $-3.734999850e+01, v6;
	v7 =	vmul.f32 $2.000000000e+02, v7;
	_ =	sdelay $0x1  }
0xf4: {  	v8 =	vmul.f32 $2.000000000e+02, v8;
	v7 =	vtrunc.f32 v7  }
0xf5: {  	v7 =	vcvt.f32.s32 v7  }
0xf6: {  	v8 =	vtrunc.f32 v8  }
0xf7: {  	v8 =	vcvt.f32.s32 v8;
	vm1 =	vgt.s32 v7, $0x0  }
0xf8: {  	v7 =	vnsel vm1, $0x0, v7  }
0xf9: {  	vm1 =	vgt.s32 v8, $0x0;
	v7 =	vmin.u32 v7, $0x43  }
0xfa: {  	v8 =	vnsel vm1, $0x0, v8;
	v9 =	vadd.s32 $0x1, v7  }
0xfb: {  	v8 =	vmin.u32 v8, $0x63;
	_ =	sdelay $0x1  }
0xfc: {  	v10 =	vadd.s32 $0x1, v8  }
0xfd: {  	v11 =	vld.idx.msk [tilespmem:v7+s13+$0x0], $0xffff  }
0xfe: {  	v9 =	vld.idx.msk [tilespmem:v9+s13+$0x0], $0xffff  }
0xff: {  	v12 =	vld.idx.msk [tilespmem:v8+s12+$0x0], $0xffff;
	_ =	sdelay $0x1  }
0x100: {  	v10 =	vld.idx.msk [tilespmem:v10+s12+$0x0], $0xffff;
	_ =	sdelay $0x1  }
0x101: {  	v11 =	vsub.f32 v5, v11  }
0x102: {  	v5 =	vsub.f32 v5, v9;
	v9 =	vsub.f32 v6, v12  }
0x103: {  	v11 =	vmul.f32 v11, v11  }
0x104: {  	v6 =	vsub.f32 v6, v10;
	v5 =	vmul.f32 v5, v5;
	v9 =	vmul.f32 v9, v9;
	_ =	sdelay $0x1  }
0x105: {  	v6 =	vmul.f32 v6, v6;
	v10 =	vadd.f32 v11, v9;
	v9 =	vadd.f32 v5, v9;
	_ =	sdelay $0x1  }
0x106: {  	v11 =	vadd.f32 v11, v6;
	vm1 =	vlt.f32 v9, v10  }
0x107: {  	v9 =	vsel vm1, v9, v10  }
0x108: {  	v5 =	vadd.f32 v5, v6;
	vm2 =	vlt.f32 v11, v9  }
0x109: {  	v6 =	vmul.u32 $0x45, v8;
	v8 =	vsel vm1, $0x1, v1;
	v9 =	vsel vm2, v11, v9  }
0x10a: {  	v8 =	vsel vm2, $0x45, v8;
	vm1 =	vlt.f32 v5, v9  }
0x10b: {  	v5 =	vadd.s32 v7, v6;
	v6 =	vsel vm1, $0x46, v8  }
0x10c: {  	s18 =	sadd.s32 $0x10, s18;
	v5 =	vadd.s32 v6, v5  }
0x10d: {  	[tilespmem:s18+$0x0] =	vst v5  }
0x10e: {  	v5 =	vld [tilespmem:$0x340];
	_ =	sdelay $0x4  }
0x10f: {  	v6 =	vshll.u32 v5, $0x1  }
0x110: {  	v5 =	vand.u32 $0x7, v5;
	v6 =	vand.u32 $0xFFFFFFF0, v6  }
0x111: {  	v5 =	vor.u32 v5, v6  }
0x112: {  	v6 =	vperm.xlane v5, v2;
	_ =	sdelay $0x1  }
0x113: {  	v5 =	vperm.xlane v5, v4;
	v6 =	vadd.s32 v3, v6;
	_ =	sdelay $0x1  }
0x114: {  	v5 =	vadd.s32 v3, v5;
	_ =	sdelay $0x2  }
0x115: {  	[tilespmem:s23], [sflag:$0x1] =	stream.indirect_vreg.gather [hbm4b:s3+s4], $0x80, v6, vm0, $0xb8;
	[tilespmem:$0x10400] =	vst v63  }
0x116: {  	s19 =	simm.s32 $0x4C00  }
0x117: {  	[tilespmem:s19], [sflag:$0x1] =	stream.indirect_vreg.gather [hbm4b:s3+s4], $0x80, v5, vm0, $0xb8;
	[tilespmem:$0x10400] =	vst v63  }
0x118: {  	v5 =	vld [tilespmem:$0x350];
	_ =	sdelay $0x4  }
0x119: {  	v6 =	vshll.u32 v5, $0x1  }
0x11a: {  	v5 =	vand.u32 $0x7, v5;
	v6 =	vand.u32 $0xFFFFFFF0, v6  }
0x11b: {  	v5 =	vor.u32 v5, v6  }
0x11c: {  	v6 =	vperm.xlane v5, v2;
	_ =	sdelay $0x1  }
0x11d: {  	v5 =	vperm.xlane v5, v4;
	v6 =	vadd.s32 v3, v6;
	_ =	sdelay $0x1  }
0x11e: {  	v5 =	vadd.s32 v3, v5;
	_ =	sdelay $0x1  }
0x11f: {  	s20 =	simm.s32 $0x5400  }
0x120: {  	[tilespmem:s20], [sflag:$0x1] =	stream.indirect_vreg.gather [hbm4b:s3+s4], $0x80, v6, vm0, $0xb8;
	[tilespmem:$0x10400] =	vst v63  }
0x121: {  	s21 =	simm.s32 $0x5C00  }
0x122: {  	[tilespmem:s21], [sflag:$0x1] =	stream.indirect_vreg.gather [hbm4b:s3+s4], $0x80, v5, vm0, $0xb8;
	[tilespmem:$0x10400] =	vst v63  }
0x123: {  	v5 =	vld [tilespmem:$0x360];
	_ =	sdelay $0x4  }
0x124: {  	v6 =	vshll.u32 v5, $0x1  }
0x125: {  	v5 =	vand.u32 $0x7, v5;
	v6 =	vand.u32 $0xFFFFFFF0, v6  }
0x126: {  	v5 =	vor.u32 v5, v6  }
0x127: {  	v6 =	vperm.xlane v5, v2;
	_ =	sdelay $0x1  }
0x128: {  	v5 =	vperm.xlane v5, v4;
	v6 =	vadd.s32 v3, v6;
	_ =	sdelay $0x1  }
0x129: {  	v5 =	vadd.s32 v3, v5;
	_ =	sdelay $0x1  }
0x12a: {  	s19 =	simm.s32 $0x6400  }
0x12b: {  	[tilespmem:s19], [sflag:$0x1] =	stream.indirect_vreg.gather [hbm4b:s3+s4], $0x80, v6, vm0, $0xb8;
	[tilespmem:$0x10400] =	vst v63  }
0x12c: {  	s20 =	simm.s32 $0x6C00  }
0x12d: {  	[tilespmem:s20], [sflag:$0x1] =	stream.indirect_vreg.gather [hbm4b:s3+s4], $0x80, v5, vm0, $0xb8;
	[tilespmem:$0x10400] =	vst v63  }
0x12e: {  	v5 =	vld [tilespmem:$0x370];
	_ =	sdelay $0x4  }
0x12f: {  	v6 =	vshll.u32 v5, $0x1  }
0x130: {  	v5 =	vand.u32 $0x7, v5;
	v6 =	vand.u32 $0xFFFFFFF0, v6  }
0x131: {  	v5 =	vor.u32 v5, v6  }
0x132: {  	v6 =	vperm.xlane v5, v2  }
0x133: {  	s21 =	simm.s32 $0x80  }
0x134: {  	v7 =	vmov s21;
	v5 =	vperm.xlane v5, v4;
	v6 =	vadd.s32 v3, v6  }
0x135: {  	v7 =	vshll.u32 v7, $0x1  }
0x136: {  	v7 =	vor.u32 v0, v7;
	v5 =	vadd.s32 v3, v5  }
0x137: {  	v8 =	vor.u32 $0x1, v7  }
0x138: {  	s19 =	simm.s32 $0x7400  }
0x139: {  	[tilespmem:s19], [sflag:$0x1] =	stream.indirect_vreg.gather [hbm4b:s3+s4], $0x80, v6, vm0, $0xb8;
	[tilespmem:$0x10400] =	vst v63  }
0x13a: {  	s20 =	simm.s32 $0x7C00  }
0x13b: {  	[tilespmem:s20], [sflag:$0x1] =	stream.indirect_vreg.gather [hbm4b:s3+s4], $0x80, v5, vm0, $0xb8;
	[tilespmem:$0x10400] =	vst v63  }
0x13c: {  	v5 =	vld.idx.msk [tilespmem:v8+s4+$0x0], $0xffff;
	_ =	sdelay $0x1  }
0x13d: {  	v6 =	vld.idx.msk [tilespmem:v7+s4+$0x0], $0xffff;
	_ =	sdelay $0x2  }
0x13e: {  	v7 =	vadd.f32 $-5.558000180e+01, v5;
	_ =	sdelay $0x1  }
0x13f: {  	v8 =	vadd.f32 $-3.734999850e+01, v6;
	v7 =	vmul.f32 $2.000000000e+02, v7;
	_ =	sdelay $0x1  }
0x140: {  	v8 =	vmul.f32 $2.000000000e+02, v8;
	v7 =	vtrunc.f32 v7  }
0x141: {  	v7 =	vcvt.f32.s32 v7  }
0x142: {  	v8 =	vtrunc.f32 v8  }
0x143: {  	v8 =	vcvt.f32.s32 v8;
	vm1 =	vgt.s32 v7, $0x0  }
0x144: {  	v7 =	vnsel vm1, $0x0, v7  }
0x145: {  	vm1 =	vgt.s32 v8, $0x0;
	v7 =	vmin.u32 v7, $0x43  }
0x146: {  	v8 =	vnsel vm1, $0x0, v8;
	v9 =	vadd.s32 $0x1, v7  }
0x147: {  	v8 =	vmin.u32 v8, $0x63;
	_ =	sdelay $0x1  }
0x148: {  	v10 =	vadd.s32 $0x1, v8  }
0x149: {  	v11 =	vld.idx.msk [tilespmem:v7+s13+$0x0], $0xffff  }
0x14a: {  	v9 =	vld.idx.msk [tilespmem:v9+s13+$0x0], $0xffff  }
0x14b: {  	v63 =	vld.idx.msk [tilespmem:v8+s12+$0x0], $0xffff;
	_ =	sdelay $0x1  }
0x14c: {  	v10 =	vld.idx.msk [tilespmem:v10+s12+$0x0], $0xffff;
	_ =	sdelay $0x1  }
0x14d: {  	v11 =	vsub.f32 v5, v11  }
0x14e: {  	v5 =	vsub.f32 v5, v9;
	v9 =	vsub.f32 v6, v63  }
0x14f: {  	v11 =	vmul.f32 v11, v11  }
0x150: {  	v6 =	vsub.f32 v6, v10;
	v5 =	vmul.f32 v5, v5;
	v9 =	vmul.f32 v9, v9;
	_ =	sdelay $0x1  }
0x151: {  	v6 =	vmul.f32 v6, v6;
	v10 =	vadd.f32 v11, v9;
	v9 =	vadd.f32 v5, v9;
	_ =	sdelay $0x1  }
0x152: {  	s21 =	simm.s32 $0x90;
	v8 =	vmul.u32 $0x45, v8;
	v11 =	vadd.f32 v11, v6;
	vm1 =	vlt.f32 v9, v10  }
0x153: {  	v5 =	vadd.f32 v5, v6;
	v6 =	vmov s21;
	v9 =	vsel vm1, v9, v10  }
0x154: {  	v6 =	vshll.u32 v6, $0x1;
	v10 =	vsel vm1, $0x1, v1;
	vm2 =	vlt.f32 v11, v9  }
0x155: {  	v6 =	vor.u32 v0, v6;
	v9 =	vsel vm2, v11, v9;
	v10 =	vsel vm2, $0x45, v10  }
0x156: {  	vm1 =	vlt.f32 v5, v9;
	v5 =	vadd.s32 v7, v8;
	v7 =	vor.u32 $0x1, v6  }
0x157: {  	s18 =	simm.s32 $0x380;
	s19 =	simm.s32 $0xA0;
	s20 =	simm.s32 $0x380;
	v8 =	vsel vm1, $0x46, v10  }
.LBB2_6:
0x158: {  	p0 =	sne.s32 s19, $0xB0  }
0x159: {  	v5 =	vadd.s32 v8, v5;
	s18 =	sadd.s32 $0x10, s18;
	s21 =	smov.u32 s19;
	s19 =	sadd.s32 $0x10, s19  }
0x15a: {  	[tilespmem:s20+$0x0] =	vst v5;
	s20 =	smov.u32 s18  }
0x15b: {  	v7 =	vld.idx.msk [tilespmem:v7+s4+$0x0], $0xffff  }
0x15c: {  	v6 =	vld.idx.msk [tilespmem:v6+s4+$0x0], $0xffff;
	_ =	sdelay $0x4  }
0x15d: {  	v5 =	vadd.f32 $-5.558000180e+01, v7  }
0x15e: {  	v8 =	vadd.f32 $-3.734999850e+01, v6  }
0x15f: {  	v5 =	vmul.f32 $2.000000000e+02, v5  }
0x160: {  	v8 =	vmul.f32 $2.000000000e+02, v8  }
0x161: {  	v5 =	vtrunc.f32 v5  }
0x162: {  	v8 =	vtrunc.f32 v8;
	v5 =	vcvt.f32.s32 v5  }
0x163: {  	v8 =	vcvt.f32.s32 v8  }
0x164: {  	vm1 =	vgt.s32 v5, $0x0  }
0x165: {  	vm2 =	vgt.s32 v8, $0x0;
	v5 =	vnsel vm1, $0x0, v5  }
0x166: {  	v8 =	vnsel vm2, $0x0, v8;
	v9 =	vmin.u32 v5, $0x43  }
0x167: {  	v8 =	vmin.u32 v8, $0x63;
	v10 =	vadd.s32 $0x1, v9  }
0x168: {  	v11 =	vadd.s32 $0x1, v8;
	v5 =	vmul.u32 $0x45, v8;
	_ =	sdelay $0x1  }
0x169: {  	v5 =	vadd.s32 v9, v5  }
0x16a: {  	v9 =	vld.idx.msk [tilespmem:v9+s13+$0x0], $0xffff  }
0x16b: {  	v10 =	vld.idx.msk [tilespmem:v10+s13+$0x0], $0xffff  }
0x16c: {  	v8 =	vld.idx.msk [tilespmem:v8+s12+$0x0], $0xffff  }
0x16d: {  	v11 =	vld.idx.msk [tilespmem:v11+s12+$0x0], $0xffff;
	_ =	sdelay $0x2  }
0x16e: {  	v9 =	vsub.f32 v7, v9  }
0x16f: {  	v7 =	vsub.f32 v7, v10  }
0x170: {  	v8 =	vsub.f32 v6, v8  }
0x171: {  	v9 =	vmul.f32 v9, v9;
	v6 =	vsub.f32 v6, v11;
	v7 =	vmul.f32 v7, v7  }
0x172: {  	v8 =	vmul.f32 v8, v8  }
0x173: {  	v6 =	vmul.f32 v6, v6  }
0x174: {  	v10 =	vadd.f32 v9, v8;
	v8 =	vadd.f32 v7, v8  }
0x175: {  	v9 =	vadd.f32 v9, v6;
	v11 =	vadd.f32 v7, v6  }
0x176: {  	v6 =	vmov s21;
	vm1 =	vlt.f32 v8, v10  }
.Ltmp2:
0x177: {  	v6 =	vshll.u32 v6, $0x1;
	v8 =	vsel vm1, v8, v10;
	(pc) =	sbr.rel @p0 .LBB2_6-.Ltmp2, $4  }
0x178: {  	v6 =	vor.u32 v0, v6;
	v10 =	vsel vm1, $0x1, v1;
	vm1 =	vlt.f32 v9, v8  }
0x179: {  	v7 =	vor.u32 $0x1, v6;
	v8 =	vsel vm1, v9, v8;
	v9 =	vsel vm1, $0x45, v10  }
0x17a: {  	vm1 =	vlt.f32 v11, v8  }
0x17b: {  	v8 =	vsel vm1, $0x46, v9  }
0x17c: {  	_ =	sdelay $0x1  }
0x17d: {  	v5 =	vadd.s32 v8, v5  }
0x17e: {  	[tilespmem:s20+$0x0] =	vst v5  }
0x17f: {  	v5 =	vld.idx.msk [tilespmem:v7+s4+$0x0], $0xffff;
	_ =	sdelay $0x1  }
0x180: {  	v6 =	vld.idx.msk [tilespmem:v6+s4+$0x0], $0xffff;
	_ =	sdelay $0x2  }
0x181: {  	v7 =	vadd.f32 $-5.558000180e+01, v5;
	_ =	sdelay $0x1  }
0x182: {  	v8 =	vadd.f32 $-3.734999850e+01, v6;
	v7 =	vmul.f32 $2.000000000e+02, v7;
	_ =	sdelay $0x1  }
0x183: {  	v8 =	vmul.f32 $2.000000000e+02, v8;
	v7 =	vtrunc.f32 v7  }
0x184: {  	v7 =	vcvt.f32.s32 v7  }
0x185: {  	v8 =	vtrunc.f32 v8  }
0x186: {  	v8 =	vcvt.f32.s32 v8;
	vm1 =	vgt.s32 v7, $0x0  }
0x187: {  	v7 =	vnsel vm1, $0x0, v7  }
0x188: {  	vm1 =	vgt.s32 v8, $0x0;
	v7 =	vmin.u32 v7, $0x43  }
0x189: {  	v8 =	vnsel vm1, $0x0, v8;
	v9 =	vadd.s32 $0x1, v7  }
0x18a: {  	v8 =	vmin.u32 v8, $0x63;
	_ =	sdelay $0x1  }
0x18b: {  	v10 =	vadd.s32 $0x1, v8  }
0x18c: {  	v11 =	vld.idx.msk [tilespmem:v7+s13+$0x0], $0xffff  }
0x18d: {  	v9 =	vld.idx.msk [tilespmem:v9+s13+$0x0], $0xffff  }
0x18e: {  	v12 =	vld.idx.msk [tilespmem:v8+s12+$0x0], $0xffff;
	_ =	sdelay $0x1  }
0x18f: {  	v10 =	vld.idx.msk [tilespmem:v10+s12+$0x0], $0xffff;
	_ =	sdelay $0x1  }
0x190: {  	v11 =	vsub.f32 v5, v11  }
0x191: {  	v5 =	vsub.f32 v5, v9;
	v9 =	vsub.f32 v6, v12  }
0x192: {  	v11 =	vmul.f32 v11, v11  }
0x193: {  	v6 =	vsub.f32 v6, v10;
	v5 =	vmul.f32 v5, v5;
	v9 =	vmul.f32 v9, v9;
	_ =	sdelay $0x1  }
0x194: {  	v6 =	vmul.f32 v6, v6;
	v10 =	vadd.f32 v11, v9;
	v9 =	vadd.f32 v5, v9;
	_ =	sdelay $0x1  }
0x195: {  	v11 =	vadd.f32 v11, v6;
	vm1 =	vlt.f32 v9, v10  }
0x196: {  	v9 =	vsel vm1, v9, v10  }
0x197: {  	v5 =	vadd.f32 v5, v6;
	vm2 =	vlt.f32 v11, v9  }
0x198: {  	v6 =	vmul.u32 $0x45, v8;
	v8 =	vsel vm1, $0x1, v1;
	v9 =	vsel vm2, v11, v9  }
0x199: {  	v8 =	vsel vm2, $0x45, v8;
	vm1 =	vlt.f32 v5, v9  }
0x19a: {  	v5 =	vadd.s32 v7, v6;
	v6 =	vsel vm1, $0x46, v8  }
0x19b: {  	s18 =	sadd.s32 $0x10, s18;
	v5 =	vadd.s32 v6, v5  }
0x19c: {  	[tilespmem:s18+$0x0] =	vst v5  }
0x19d: {  	v5 =	vld [tilespmem:$0x380];
	_ =	sdelay $0x4  }
0x19e: {  	v6 =	vshll.u32 v5, $0x1  }
0x19f: {  	v5 =	vand.u32 $0x7, v5;
	v6 =	vand.u32 $0xFFFFFFF0, v6  }
0x1a0: {  	v5 =	vor.u32 v5, v6  }
0x1a1: {  	v6 =	vperm.xlane v5, v2;
	_ =	sdelay $0x1  }
0x1a2: {  	v5 =	vperm.xlane v5, v4;
	v6 =	vadd.s32 v3, v6;
	_ =	sdelay $0x1  }
0x1a3: {  	v5 =	vadd.s32 v3, v5;
	_ =	sdelay $0x2  }
0x1a4: {  	[tilespmem:s2], [sflag:$0x1] =	stream.indirect_vreg.gather [hbm4b:s3+s4], $0x80, v6, vm0, $0xb8;
	[tilespmem:$0x10400] =	vst v63  }
0x1a5: {  	s19 =	simm.s32 $0x8C00  }
0x1a6: {  	[tilespmem:s19], [sflag:$0x1] =	stream.indirect_vreg.gather [hbm4b:s3+s4], $0x80, v5, vm0, $0xb8;
	[tilespmem:$0x10400] =	vst v63  }
0x1a7: {  	v5 =	vld [tilespmem:$0x390];
	_ =	sdelay $0x4  }
0x1a8: {  	v6 =	vshll.u32 v5, $0x1  }
0x1a9: {  	v5 =	vand.u32 $0x7, v5;
	v6 =	vand.u32 $0xFFFFFFF0, v6  }
0x1aa: {  	v5 =	vor.u32 v5, v6  }
0x1ab: {  	v6 =	vperm.xlane v5, v2;
	_ =	sdelay $0x1  }
0x1ac: {  	v5 =	vperm.xlane v5, v4;
	v6 =	vadd.s32 v3, v6;
	_ =	sdelay $0x1  }
0x1ad: {  	v5 =	vadd.s32 v3, v5;
	_ =	sdelay $0x1  }
0x1ae: {  	s20 =	simm.s32 $0x9400  }
0x1af: {  	[tilespmem:s20], [sflag:$0x1] =	stream.indirect_vreg.gather [hbm4b:s3+s4], $0x80, v6, vm0, $0xb8;
	[tilespmem:$0x10400] =	vst v63  }
0x1b0: {  	s21 =	simm.s32 $0x9C00  }
0x1b1: {  	[tilespmem:s21], [sflag:$0x1] =	stream.indirect_vreg.gather [hbm4b:s3+s4], $0x80, v5, vm0, $0xb8;
	[tilespmem:$0x10400] =	vst v63  }
0x1b2: {  	v5 =	vld [tilespmem:$0x3A0];
	_ =	sdelay $0x4  }
0x1b3: {  	v6 =	vshll.u32 v5, $0x1  }
0x1b4: {  	v5 =	vand.u32 $0x7, v5;
	v6 =	vand.u32 $0xFFFFFFF0, v6  }
0x1b5: {  	v5 =	vor.u32 v5, v6  }
0x1b6: {  	v6 =	vperm.xlane v5, v2;
	_ =	sdelay $0x1  }
0x1b7: {  	v5 =	vperm.xlane v5, v4;
	v6 =	vadd.s32 v3, v6;
	_ =	sdelay $0x1  }
0x1b8: {  	v5 =	vadd.s32 v3, v5;
	_ =	sdelay $0x1  }
0x1b9: {  	s19 =	simm.s32 $0xA400  }
0x1ba: {  	[tilespmem:s19], [sflag:$0x1] =	stream.indirect_vreg.gather [hbm4b:s3+s4], $0x80, v6, vm0, $0xb8;
	[tilespmem:$0x10400] =	vst v63  }
0x1bb: {  	s20 =	simm.s32 $0xAC00  }
0x1bc: {  	[tilespmem:s20], [sflag:$0x1] =	stream.indirect_vreg.gather [hbm4b:s3+s4], $0x80, v5, vm0, $0xb8;
	[tilespmem:$0x10400] =	vst v63  }
0x1bd: {  	v5 =	vld [tilespmem:$0x3B0];
	_ =	sdelay $0x4  }
0x1be: {  	v6 =	vshll.u32 v5, $0x1  }
0x1bf: {  	v5 =	vand.u32 $0x7, v5;
	v6 =	vand.u32 $0xFFFFFFF0, v6  }
0x1c0: {  	v5 =	vor.u32 v5, v6  }
0x1c1: {  	v6 =	vperm.xlane v5, v2  }
0x1c2: {  	s21 =	simm.s32 $0xC0  }
0x1c3: {  	v7 =	vmov s21;
	v5 =	vperm.xlane v5, v4;
	v6 =	vadd.s32 v3, v6  }
0x1c4: {  	v7 =	vshll.u32 v7, $0x1  }
0x1c5: {  	v7 =	vor.u32 v0, v7;
	v5 =	vadd.s32 v3, v5  }
0x1c6: {  	v8 =	vor.u32 $0x1, v7  }
0x1c7: {  	s19 =	simm.s32 $0xB400  }
0x1c8: {  	[tilespmem:s19], [sflag:$0x1] =	stream.indirect_vreg.gather [hbm4b:s3+s4], $0x80, v6, vm0, $0xb8;
	[tilespmem:$0x10400] =	vst v63  }
0x1c9: {  	s20 =	simm.s32 $0xBC00  }
0x1ca: {  	[tilespmem:s20], [sflag:$0x1] =	stream.indirect_vreg.gather [hbm4b:s3+s4], $0x80, v5, vm0, $0xb8;
	[tilespmem:$0x10400] =	vst v63  }
0x1cb: {  	v5 =	vld.idx.msk [tilespmem:v8+s4+$0x0], $0xffff;
	_ =	sdelay $0x1  }
0x1cc: {  	v6 =	vld.idx.msk [tilespmem:v7+s4+$0x0], $0xffff;
	_ =	sdelay $0x2  }
0x1cd: {  	v7 =	vadd.f32 $-5.558000180e+01, v5;
	_ =	sdelay $0x1  }
0x1ce: {  	v8 =	vadd.f32 $-3.734999850e+01, v6;
	v7 =	vmul.f32 $2.000000000e+02, v7;
	_ =	sdelay $0x1  }
0x1cf: {  	v8 =	vmul.f32 $2.000000000e+02, v8;
	v7 =	vtrunc.f32 v7  }
0x1d0: {  	v7 =	vcvt.f32.s32 v7  }
0x1d1: {  	v8 =	vtrunc.f32 v8  }
0x1d2: {  	v8 =	vcvt.f32.s32 v8;
	vm1 =	vgt.s32 v7, $0x0  }
0x1d3: {  	v7 =	vnsel vm1, $0x0, v7  }
0x1d4: {  	vm1 =	vgt.s32 v8, $0x0;
	v7 =	vmin.u32 v7, $0x43  }
0x1d5: {  	v8 =	vnsel vm1, $0x0, v8;
	v9 =	vadd.s32 $0x1, v7  }
0x1d6: {  	v8 =	vmin.u32 v8, $0x63;
	_ =	sdelay $0x1  }
0x1d7: {  	v10 =	vadd.s32 $0x1, v8  }
0x1d8: {  	v11 =	vld.idx.msk [tilespmem:v7+s13+$0x0], $0xffff  }
0x1d9: {  	v9 =	vld.idx.msk [tilespmem:v9+s13+$0x0], $0xffff  }
0x1da: {  	v63 =	vld.idx.msk [tilespmem:v8+s12+$0x0], $0xffff;
	_ =	sdelay $0x1  }
0x1db: {  	v10 =	vld.idx.msk [tilespmem:v10+s12+$0x0], $0xffff;
	_ =	sdelay $0x1  }
0x1dc: {  	v11 =	vsub.f32 v5, v11  }
0x1dd: {  	v5 =	vsub.f32 v5, v9;
	v9 =	vsub.f32 v6, v63  }
0x1de: {  	v11 =	vmul.f32 v11, v11  }
0x1df: {  	v6 =	vsub.f32 v6, v10;
	v5 =	vmul.f32 v5, v5;
	v9 =	vmul.f32 v9, v9;
	_ =	sdelay $0x1  }
0x1e0: {  	v6 =	vmul.f32 v6, v6;
	v10 =	vadd.f32 v11, v9;
	v9 =	vadd.f32 v5, v9;
	_ =	sdelay $0x1  }
0x1e1: {  	s21 =	simm.s32 $0xD0;
	v8 =	vmul.u32 $0x45, v8;
	v11 =	vadd.f32 v11, v6;
	vm1 =	vlt.f32 v9, v10  }
0x1e2: {  	v5 =	vadd.f32 v5, v6;
	v6 =	vmov s21;
	v9 =	vsel vm1, v9, v10  }
0x1e3: {  	v6 =	vshll.u32 v6, $0x1;
	v10 =	vsel vm1, $0x1, v1;
	vm2 =	vlt.f32 v11, v9  }
0x1e4: {  	v6 =	vor.u32 v0, v6;
	v9 =	vsel vm2, v11, v9;
	v10 =	vsel vm2, $0x45, v10  }
0x1e5: {  	vm1 =	vlt.f32 v5, v9;
	v5 =	vadd.s32 v7, v8;
	v7 =	vor.u32 $0x1, v6  }
0x1e6: {  	s18 =	simm.s32 $0x3C0;
	s19 =	simm.s32 $0xE0;
	s20 =	simm.s32 $0x3C0;
	v8 =	vsel vm1, $0x46, v10  }
.LBB2_8:
0x1e7: {  	p0 =	sne.s32 s19, $0xF0  }
0x1e8: {  	v5 =	vadd.s32 v8, v5;
	s18 =	sadd.s32 $0x10, s18;
	s21 =	smov.u32 s19;
	s19 =	sadd.s32 $0x10, s19  }
0x1e9: {  	[tilespmem:s20+$0x0] =	vst v5;
	s20 =	smov.u32 s18  }
0x1ea: {  	v7 =	vld.idx.msk [tilespmem:v7+s4+$0x0], $0xffff  }
0x1eb: {  	v6 =	vld.idx.msk [tilespmem:v6+s4+$0x0], $0xffff;
	_ =	sdelay $0x4  }
0x1ec: {  	v5 =	vadd.f32 $-5.558000180e+01, v7  }
0x1ed: {  	v8 =	vadd.f32 $-3.734999850e+01, v6  }
0x1ee: {  	v5 =	vmul.f32 $2.000000000e+02, v5  }
0x1ef: {  	v8 =	vmul.f32 $2.000000000e+02, v8  }
0x1f0: {  	v5 =	vtrunc.f32 v5  }
0x1f1: {  	v8 =	vtrunc.f32 v8;
	v5 =	vcvt.f32.s32 v5  }
0x1f2: {  	v8 =	vcvt.f32.s32 v8  }
0x1f3: {  	vm1 =	vgt.s32 v5, $0x0  }
0x1f4: {  	vm2 =	vgt.s32 v8, $0x0;
	v5 =	vnsel vm1, $0x0, v5  }
0x1f5: {  	v8 =	vnsel vm2, $0x0, v8;
	v9 =	vmin.u32 v5, $0x43  }
0x1f6: {  	v8 =	vmin.u32 v8, $0x63;
	v10 =	vadd.s32 $0x1, v9  }
0x1f7: {  	v11 =	vadd.s32 $0x1, v8;
	v5 =	vmul.u32 $0x45, v8;
	_ =	sdelay $0x1  }
0x1f8: {  	v5 =	vadd.s32 v9, v5  }
0x1f9: {  	v9 =	vld.idx.msk [tilespmem:v9+s13+$0x0], $0xffff  }
0x1fa: {  	v10 =	vld.idx.msk [tilespmem:v10+s13+$0x0], $0xffff  }
0x1fb: {  	v8 =	vld.idx.msk [tilespmem:v8+s12+$0x0], $0xffff  }
0x1fc: {  	v11 =	vld.idx.msk [tilespmem:v11+s12+$0x0], $0xffff;
	_ =	sdelay $0x2  }
0x1fd: {  	v9 =	vsub.f32 v7, v9  }
0x1fe: {  	v7 =	vsub.f32 v7, v10  }
0x1ff: {  	v8 =	vsub.f32 v6, v8  }
0x200: {  	v9 =	vmul.f32 v9, v9;
	v6 =	vsub.f32 v6, v11;
	v7 =	vmul.f32 v7, v7  }
0x201: {  	v8 =	vmul.f32 v8, v8  }
0x202: {  	v6 =	vmul.f32 v6, v6  }
0x203: {  	v10 =	vadd.f32 v9, v8;
	v8 =	vadd.f32 v7, v8  }
0x204: {  	v9 =	vadd.f32 v9, v6;
	v11 =	vadd.f32 v7, v6  }
0x205: {  	v6 =	vmov s21;
	vm1 =	vlt.f32 v8, v10  }
.Ltmp3:
0x206: {  	v6 =	vshll.u32 v6, $0x1;
	v8 =	vsel vm1, v8, v10;
	(pc) =	sbr.rel @p0 .LBB2_8-.Ltmp3, $4  }
0x207: {  	v6 =	vor.u32 v0, v6;
	v10 =	vsel vm1, $0x1, v1;
	vm1 =	vlt.f32 v9, v8  }
0x208: {  	v7 =	vor.u32 $0x1, v6;
	v8 =	vsel vm1, v9, v8;
	v9 =	vsel vm1, $0x45, v10  }
0x209: {  	vm1 =	vlt.f32 v11, v8  }
0x20a: {  	v8 =	vsel vm1, $0x46, v9  }
0x20b: {  	_ =	sdelay $0x1  }
0x20c: {  	v5 =	vadd.s32 v8, v5  }
0x20d: {  	[tilespmem:s20+$0x0] =	vst v5  }
0x20e: {  	v5 =	vld.idx.msk [tilespmem:v7+s4+$0x0], $0xffff;
	_ =	sdelay $0x1  }
0x20f: {  	v6 =	vld.idx.msk [tilespmem:v6+s4+$0x0], $0xffff;
	_ =	sdelay $0x2  }
0x210: {  	v7 =	vadd.f32 $-5.558000180e+01, v5;
	_ =	sdelay $0x1  }
0x211: {  	v60 =	vadd.f32 $-3.734999850e+01, v6;
	v7 =	vmul.f32 $2.000000000e+02, v7;
	_ =	sdelay $0x1  }
0x212: {  	v8 =	vmul.f32 $2.000000000e+02, v60;
	v7 =	vtrunc.f32 v7  }
0x213: {  	v7 =	vcvt.f32.s32 v7  }
0x214: {  	v8 =	vtrunc.f32 v8  }
0x215: {  	v8 =	vcvt.f32.s32 v8;
	vm1 =	vgt.s32 v7, $0x0  }
0x216: {  	v7 =	vnsel vm1, $0x0, v7  }
0x217: {  	vm1 =	vgt.s32 v8, $0x0;
	v7 =	vmin.u32 v7, $0x43  }
0x218: {  	v8 =	vnsel vm1, $0x0, v8;
	v9 =	vadd.s32 $0x1, v7  }
0x219: {  	v8 =	vmin.u32 v8, $0x63;
	_ =	sdelay $0x1  }
0x21a: {  	v10 =	vadd.s32 $0x1, v8  }
0x21b: {  	v11 =	vld.idx.msk [tilespmem:v7+s13+$0x0], $0xffff  }
0x21c: {  	v9 =	vld.idx.msk [tilespmem:v9+s13+$0x0], $0xffff  }
0x21d: {  	v12 =	vld.idx.msk [tilespmem:v8+s12+$0x0], $0xffff;
	_ =	sdelay $0x1  }
0x21e: {  	v10 =	vld.idx.msk [tilespmem:v10+s12+$0x0], $0xffff;
	_ =	sdelay $0x1  }
0x21f: {  	v11 =	vsub.f32 v5, v11  }
0x220: {  	v5 =	vsub.f32 v5, v9;
	v61 =	vsub.f32 v6, v12  }
0x221: {  	v11 =	vmul.f32 v11, v11  }
0x222: {  	v6 =	vsub.f32 v6, v10;
	v5 =	vmul.f32 v5, v5;
	v9 =	vmul.f32 v61, v61;
	_ =	sdelay $0x1  }
0x223: {  	v6 =	vmul.f32 v6, v6;
	v62 =	vadd.f32 v11, v9;
	v9 =	vadd.f32 v5, v9;
	_ =	sdelay $0x1  }
0x224: {  	v11 =	vadd.f32 v11, v6;
	vm1 =	vlt.f32 v9, v62  }
0x225: {  	v9 =	vsel vm1, v9, v62  }
0x226: {  	v5 =	vadd.f32 v5, v6;
	vm2 =	vlt.f32 v11, v9  }
0x227: {  	v6 =	vmul.u32 $0x45, v8;
	v63 =	vsel vm1, $0x1, v1;
	v9 =	vsel vm2, v11, v9  }
0x228: {  	v8 =	vsel vm2, $0x45, v63;
	vm1 =	vlt.f32 v5, v9  }
0x229: {  	v5 =	vadd.s32 v7, v6;
	v6 =	vsel vm1, $0x46, v8  }
0x22a: {  	s18 =	sadd.s32 $0x10, s18;
	v5 =	vadd.s32 v6, v5  }
0x22b: {  	[tilespmem:s18+$0x0] =	vst v5  }
0x22c: {  	v5 =	vld [tilespmem:$0x3C0];
	_ =	sdelay $0x4  }
0x22d: {  	v6 =	vshll.u32 v5, $0x1  }
0x22e: {  	v5 =	vand.u32 $0x7, v5;
	v6 =	vand.u32 $0xFFFFFFF0, v6  }
0x22f: {  	v5 =	vor.u32 v5, v6  }
0x230: {  	v6 =	vperm.xlane v5, v2;
	_ =	sdelay $0x1  }
0x231: {  	v5 =	vperm.xlane v5, v4;
	v6 =	vadd.s32 v3, v6;
	_ =	sdelay $0x1  }
0x232: {  	v5 =	vadd.s32 v3, v5;
	_ =	sdelay $0x2  }
0x233: {  	[tilespmem:s22], [sflag:$0x1] =	stream.indirect_vreg.gather [hbm4b:s3+s4], $0x80, v6, vm0, $0xb8;
	[tilespmem:$0x10400] =	vst v63  }
0x234: {  	_ = 	snop  }
0x235: {  	[tilespmem:s24], [sflag:$0x1] =	stream.indirect_vreg.gather [hbm4b:s3+s4], $0x80, v5, vm0, $0xb8;
	[tilespmem:$0x10400] =	vst v63  }
0x236: {  	v5 =	vld [tilespmem:$0x3D0];
	_ =	sdelay $0x4  }
0x237: {  	v6 =	vshll.u32 v5, $0x1  }
0x238: {  	v5 =	vand.u32 $0x7, v5;
	v6 =	vand.u32 $0xFFFFFFF0, v6  }
0x239: {  	v5 =	vor.u32 v5, v6  }
0x23a: {  	v6 =	vperm.xlane v5, v2;
	_ =	sdelay $0x1  }
0x23b: {  	v5 =	vperm.xlane v5, v4;
	v6 =	vadd.s32 v3, v6;
	_ =	sdelay $0x1  }
0x23c: {  	v5 =	vadd.s32 v3, v5;
	_ =	sdelay $0x2  }
0x23d: {  	[tilespmem:s25], [sflag:$0x1] =	stream.indirect_vreg.gather [hbm4b:s3+s4], $0x80, v6, vm0, $0xb8;
	[tilespmem:$0x10400] =	vst v63  }
0x23e: {  	_ = 	snop  }
0x23f: {  	[tilespmem:s26], [sflag:$0x1] =	stream.indirect_vreg.gather [hbm4b:s3+s4], $0x80, v5, vm0, $0xb8;
	[tilespmem:$0x10400] =	vst v63  }
0x240: {  	v5 =	vld [tilespmem:$0x3E0];
	_ =	sdelay $0x4  }
0x241: {  	v6 =	vshll.u32 v5, $0x1  }
0x242: {  	v5 =	vand.u32 $0x7, v5;
	v6 =	vand.u32 $0xFFFFFFF0, v6  }
0x243: {  	v5 =	vor.u32 v5, v6  }
0x244: {  	v6 =	vperm.xlane v5, v2;
	_ =	sdelay $0x1  }
0x245: {  	v5 =	vperm.xlane v5, v4;
	v6 =	vadd.s32 v3, v6;
	_ =	sdelay $0x1  }
0x246: {  	v5 =	vadd.s32 v3, v5;
	_ =	sdelay $0x2  }
0x247: {  	[tilespmem:s28], [sflag:$0x1] =	stream.indirect_vreg.gather [hbm4b:s3+s4], $0x80, v6, vm0, $0xb8;
	[tilespmem:$0x10400] =	vst v63  }
0x248: {  	_ = 	snop  }
0x249: {  	[tilespmem:s29], [sflag:$0x1] =	stream.indirect_vreg.gather [hbm4b:s3+s4], $0x80, v5, vm0, $0xb8;
	[tilespmem:$0x10400] =	vst v63  }
0x24a: {  	v5 =	vld [tilespmem:$0x3F0];
	_ =	sdelay $0x4  }
0x24b: {  	v6 =	vshll.u32 v5, $0x1  }
0x24c: {  	v5 =	vand.u32 $0x7, v5;
	v6 =	vand.u32 $0xFFFFFFF0, v6  }
0x24d: {  	v5 =	vor.u32 v5, v6  }
0x24e: {  	v6 =	vperm.xlane v5, v2;
	_ =	sdelay $0x1  }
0x24f: {  	v5 =	vperm.xlane v5, v4;
	v6 =	vadd.s32 v3, v6;
	_ =	sdelay $0x1  }
0x250: {  	v5 =	vadd.s32 v3, v5;
	_ =	sdelay $0x2  }
0x251: {  	[tilespmem:s30], [sflag:$0x1] =	stream.indirect_vreg.gather [hbm4b:s3+s4], $0x80, v6, vm0, $0xb8;
	[tilespmem:$0x10400] =	vst v63  }
0x252: {  	_ = 	snop  }
0x253: {  	[tilespmem:s31], [sflag:$0x1] =	stream.indirect_vreg.gather [hbm4b:s3+s4], $0x80, v5, vm0, $0xb8;
	[tilespmem:$0x10400] =	vst v63  }
0x254: {  	_ =	swait.ge [sflag:s0], $0x4000  }
0x255: {  	[sflag:s0] =	ssyncset.done $0x0  }
0x256: {  	[sflag:s0] =	ssyncadd.s32 $0xFFFFC000  }
0x257: {  	[hbm4b:s7+s4] =	stream.linear.scatter [tilespmem:s15], [sflag:$0x2], $0x4000, $0x38;
	[tilespmem:$0x10400] =	vst v63  }
0x258: {  	_ =	swait.ge [sflag:s0], $0x4000  }
0x259: {  	[sflag:s0] =	ssyncset.done $0x0  }
0x25a: {  	[sflag:s0] =	ssyncadd.s32 $0xFFFFC000  }
0x25b: {  	[hbm4b:s8+s4] =	stream.linear.scatter [tilespmem:s23], [sflag:$0x2], $0x4000, $0x38;
	[tilespmem:$0x10400] =	vst v63  }
0x25c: {  	_ =	swait.ge [sflag:s0], $0x4000  }
0x25d: {  	[sflag:s0] =	ssyncset.done $0x0  }
0x25e: {  	[sflag:s0] =	ssyncadd.s32 $0xFFFFC000  }
0x25f: {  	[hbm4b:s9+s4] =	stream.linear.scatter [tilespmem:s2], [sflag:$0x2], $0x4000, $0x38;
	[tilespmem:$0x10400] =	vst v63  }
0x260: {  	_ =	swait.ge [sflag:s0], $0x4000  }
0x261: {  	[sflag:s0] =	ssyncset.done $0x0  }
0x262: {  	[sflag:s0] =	ssyncadd.s32 $0xFFFFC000  }
0x263: {  	[hbm4b:s10+s4] =	stream.linear.scatter [tilespmem:s22], [sflag:$0x2], $0x4000, $0x38;
	[tilespmem:$0x10400] =	vst v63  }
0x264: {  	_ =	swait.ge [sflag:s16], $0x4000  }
0x265: {  	[sflag:s16] =	ssyncset.done $0x0  }
0x266: {  	[sflag:s16] =	ssyncadd.s32 $0xFFFFC000  }
0x267: {  	_ =	swait.ge [sflag:s16], $0x4000  }
0x268: {  	[sflag:s16] =	ssyncset.done $0x0  }
0x269: {  	s17 =	sadd.s32 $0x1, s17;
	[sflag:s16] =	ssyncadd.s32 $0xFFFFC000  }
0x26a: {  	p0 =	sne.s32 s17, s11;
	_ =	swait.ge [sflag:s16], $0x4000  }
.Ltmp4:
0x26b: {  	[sflag:s16] =	ssyncset.done $0x0;
	(pc) =	sbr.rel @p0 .LBB2_1-.Ltmp4, $4  }
0x26c: {  	[sflag:s16] =	ssyncadd.s32 $0xFFFFC000  }
0x26d: {  	_ =	swait.ge [sflag:s16], $0x4000  }
0x26e: {  	[sflag:s16] =	ssyncset.done $0x0  }
0x26f: {  	[sflag:s16] =	ssyncadd.s32 $0xFFFFC000  }
0x270: {  	_ =	sfence.sel $0x180000  }
0x271: {  	[bflag:$0x0] =	sbarrier.arrive $0xFFFF  }
0x272: {  	_ =	strace $0x90000047  }
0x273: {  	s0 =	stileid.u32;
	[bflag:$0x2] =	sbarrier.arrive $0xFFFF  }
0x274: {  	p0 =	sne.s32 s0, $0x0;
	s0 =	rddreg [dreg:$0x3]  }
0x275: {  	s0 =	sadd.s32 @!p0 $0x100000, s0  }
0x276: {  	[sflag:s0] =	ssyncadd.tile.s32 @!p0 $0x1;
	_ =	shalt  }
.Lfunc_end2:
_tile_overlayer_lowered:
.L_overlay_start_2:
0x277: {  	(tag) =	ssettag $0x2  }
0x278: {  	s0 =	rddreg [dreg:$0x0];
	s2 =	stileid.u32  }
0x279: {  	s1 =	rddreg [dreg:$0x1];
	p0 =	sne.s32 s2, $0x0  }
0x27a: {  	s3 =	rddreg [dreg:$0x2];
	[bflag:$0x3] =	sbarrier.arrive $0xFFFF;
	s2 =	simm.s32 @!p0 $0x1C04  }
0x27b: {  	[timem:s3], [sflag:s2] =	dma.local @!p0 [hbm:s0], s1  }
0x27c: {  	s0 =	simm.s32 @!p0 $0x4  }
0x27d: {  	_ =	swait.ge @!p0 [sflag:s0], s1  }
0x27e: {  	s1 =	ssub.s32 @!p0 $0x0, s1;
	[sflag:s0] =	ssyncset.done @!p0 $0x0  }
0x27f: {  	[sflag:s0] =	ssyncadd.s32 @!p0 s1  }
0x280: {  	[bflag:$0x3] =	sbarrier.arrive $0xFFFF  }
0x281: {  	_ =	shalt  }

</sc_bundles>
